<compile_context>
chip_gen: v7x
topology: tpu7x:2x2x1
jax: 0.10.2.dev20260603
libtpu: 0.0.44.dev20260713+nightly
codegen_flags: <defaults>
</compile_context>

<pallas_src>
import functools

import jax
import jax.numpy as jnp
from jax import lax
from jax.experimental import pallas as pl
from jax.experimental.pallas import tpu as pltpu
from jax.experimental.pallas import tpu_sc as plsc

BATCH = 16384
EMB = 32
PACK = 4
LANES = PACK * EMB
TBLK = 16384
QBLK = TBLK // PACK
BSH = 14
QSH = 12
NC = 2
NS = 16
NW = NC * NS
B_PER_W = BATCH // NW
ROWS_W = B_PER_W // PACK
CHUNK = 128


def _tpack_body(t_ref, eye_ref, out_ref):
    t = lax.dot_general(t_ref[...], eye_ref[...], (((0,), (0,)), ((), ())),
                        preferred_element_type=jnp.float32)
    out_ref[...] = jnp.concatenate(
        [t[i * (TBLK // PACK):(i + 1) * (TBLK // PACK)] for i in range(PACK)],
        axis=1)


def _tc_transpose_pack(tabT, eye):
    n = tabT.shape[1]
    steps = -(-n // TBLK)
    rows = steps * (TBLK // PACK)
    return pl.pallas_call(
        _tpack_body,
        grid=(steps,),
        in_specs=[pl.BlockSpec((EMB, TBLK), lambda i: (0, i)),
                  pl.BlockSpec((EMB, EMB), lambda i: (0, 0))],
        out_specs=pl.BlockSpec((TBLK // PACK, LANES), lambda i: (i, 0)),
        out_shape=jax.ShapeDtypeStruct((rows, LANES), jnp.float32),
    )(tabT, eye)


def _gather_one_table(tab4, idx_v, blk_v, mod_v, raw_v, out_v, sem):
    def idx_body(c, _):
        ds = pl.ds(pl.multiple_of(c * 16, 16), 16)
        r = idx_v[ds]
        blk_v[ds] = lax.bitwise_or(
            lax.shift_left(lax.shift_right_logical(r, BSH), QSH),
            lax.bitwise_and(r, QBLK - 1))
        mod_v[ds] = lax.bitwise_and(lax.shift_right_logical(r, QSH), PACK - 1)
        return ()

    lax.fori_loop(0, B_PER_W // 16, idx_body, ())

    copies = []
    for c in range(B_PER_W // CHUNK):
        ds = pl.ds(c * CHUNK, CHUNK)
        copies.append(pltpu.async_copy(tab4.at[blk_v.at[ds]],
                                       raw_v.at[ds], sem))
    for cp in copies:
        cp.wait()

    lane16 = lax.iota(jnp.int32, 16)

    def sel_body(c, _):
        cb = pl.multiple_of(c * 16, 16)
        mods = mod_v[pl.ds(cb, 16)]
        for k in range(16):
            i = c * 16 + k
            rb = c * (16 // PACK) + k // PACK
            off = (k % PACK) * EMB
            lane0 = mods[k] * EMB
            rows16 = jnp.full((16,), i, jnp.int32)
            for h in range(EMB // 16):
                v = plsc.load_gather(raw_v, [rows16, lane0 + h * 16 + lane16])
                out_v[rb, pl.ds(off + h * 16, 16)] = v
        return ()

    lax.fori_loop(0, B_PER_W // 16, sel_body, ())


def _gather_body(utab4, ptab4, uidx, pidx, u_out, p_out,
                 uidx_v, pidx_v, blk_v, mod_v, raw_v, uout_v, pout_v,
                 sem_u, sem_p):
    wid = lax.axis_index("c") * NS + lax.axis_index("s")
    base = wid * B_PER_W
    pltpu.sync_copy(uidx.at[pl.ds(base, B_PER_W)], uidx_v)
    pltpu.sync_copy(pidx.at[pl.ds(base, B_PER_W)], pidx_v)

    _gather_one_table(utab4, uidx_v, blk_v, mod_v, raw_v, uout_v, sem_u)
    _gather_one_table(ptab4, pidx_v, blk_v, mod_v, raw_v, pout_v, sem_p)

    pltpu.sync_copy(uout_v, u_out.at[wid])
    pltpu.sync_copy(pout_v, p_out.at[wid])


def _sc_gather(utab4, ptab4, uidx, pidx):
    mesh = plsc.VectorSubcoreMesh(core_axis_name="c", subcore_axis_name="s")
    f = pl.kernel(
        _gather_body,
        out_type=(
            jax.ShapeDtypeStruct((NW, ROWS_W, LANES), jnp.float32),
            jax.ShapeDtypeStruct((NW, ROWS_W, LANES), jnp.float32),
        ),
        mesh=mesh,
        scratch_types=[
            pltpu.VMEM((B_PER_W,), jnp.int32),
            pltpu.VMEM((B_PER_W,), jnp.int32),
            pltpu.VMEM((B_PER_W,), jnp.int32),
            pltpu.VMEM((B_PER_W,), jnp.int32),
            pltpu.VMEM((B_PER_W, LANES), jnp.float32),
            pltpu.VMEM((ROWS_W, LANES), jnp.float32),
            pltpu.VMEM((ROWS_W, LANES), jnp.float32),
            pltpu.SemaphoreType.DMA,
            pltpu.SemaphoreType.DMA,
        ],
        compiler_params=pltpu.CompilerParams(use_tc_tiling_on_sc=False,
                                             needs_layout_passes=False),
    )
    return f(utab4, ptab4, uidx, pidx)


def _mlp_body(u_ref, p_ref, w1u_ref, w1p_ref, b1_ref, w2_ref, b2_ref,
              w3_ref, b3_ref, out_ref):
    cols = []
    for k in range(PACK):
        uk = u_ref[:, k * EMB:(k + 1) * EMB]
        pk = p_ref[:, k * EMB:(k + 1) * EMB]
        h1 = jnp.dot(uk, w1u_ref[...], preferred_element_type=jnp.float32)
        h1 += jnp.dot(pk, w1p_ref[...], preferred_element_type=jnp.float32)
        h1 = jnp.maximum(h1 + b1_ref[...], 0.0)
        h2 = jnp.dot(h1, w2_ref[...], preferred_element_type=jnp.float32)
        h2 = jnp.maximum(h2 + b2_ref[...], 0.0)
        cols.append(jnp.dot(h2, w3_ref[...],
                            preferred_element_type=jnp.float32))
    out_ref[...] = jnp.concatenate(cols, axis=1) + b3_ref[...]


def _tc_mlp(u, p, w1u_t, w1p_t, b1, w2_t, b2, w3_t, b3):
    n = BATCH // PACK
    blk = 1024
    grid = (n // blk,)
    full = lambda shape: pl.BlockSpec(shape, lambda i: (0,) * len(shape))
    return pl.pallas_call(
        _mlp_body,
        grid=grid,
        in_specs=[
            pl.BlockSpec((blk, LANES), lambda i: (i, 0)),
            pl.BlockSpec((blk, LANES), lambda i: (i, 0)),
            full((EMB, 64)),
            full((EMB, 64)),
            full((1, 64)),
            full((64, 32)),
            full((1, 32)),
            full((32, 1)),
            full((1, 1)),
        ],
        out_specs=pl.BlockSpec((blk, PACK), lambda i: (i, 0)),
        out_shape=jax.ShapeDtypeStruct((n, PACK), jnp.float32),
    )(u, p, w1u_t, w1p_t, b1, w2_t, b2, w3_t, b3)


def kernel(user_tensor, product_tensor, user_table, product_table,
           W1, b1, W2, b2, W3, b3):
    uidx = user_tensor.astype(jnp.int32)
    pidx = product_tensor.astype(jnp.int32)
    eye = jnp.eye(EMB, dtype=jnp.float32)
    utab4 = _tc_transpose_pack(user_table.T, eye)
    ptab4 = _tc_transpose_pack(product_table.T, eye)
    u_rows, p_rows = _sc_gather(utab4, ptab4, uidx, pidx)
    u = jnp.reshape(u_rows, (BATCH // PACK, LANES))
    p = jnp.reshape(p_rows, (BATCH // PACK, LANES))
    out = _tc_mlp(
        u, p,
        W1[:, :EMB].T, W1[:, EMB:].T, b1[None, :],
        W2.T, b2[None, :], W3.T, b3[None, :],
    )
    return jnp.reshape(out, (BATCH,))

# --- scband reference (transcript-rebuilt; emitter-appended) ---
"""Pipeline reference for scband-souq-yemen-recommender-36515811950889 (READ-ONLY COPY).

The authoritative reference and input builder live on the scoring server;
editing this copy changes nothing except your own understanding.
"""

import jax, jax.numpy as jnp
import numpy as np

BATCH = 16384
NUM_USERS = 1000000
NUM_PRODUCTS = 100000
EMB = 32


def setup_inputs(seed: int = 0) -> dict:
    key = jax.random.key(seed)
    ks = jax.random.split(key, 10)
    user_tensor = jax.random.randint(ks[0], (BATCH,), 0, NUM_USERS, dtype=jnp.int64 if jax.config.jax_enable_x64 else jnp.int32)
    product_tensor = jax.random.randint(ks[1], (BATCH,), 0, NUM_PRODUCTS, dtype=jnp.int64 if jax.config.jax_enable_x64 else jnp.int32)
    user_table = jax.random.normal(ks[2], (NUM_USERS, EMB), dtype=jnp.float32) * 0.02
    product_table = jax.random.normal(ks[3], (NUM_PRODUCTS, EMB), dtype=jnp.float32) * 0.02
    W1 = jax.random.normal(ks[4], (64, EMB * 2), dtype=jnp.float32) * (1.0 / np.sqrt(EMB * 2))
    b1 = jnp.zeros((64,), dtype=jnp.float32)
    W2 = jax.random.normal(ks[5], (32, 64), dtype=jnp.float32) * (1.0 / np.sqrt(64))
    b2 = jnp.zeros((32,), dtype=jnp.float32)
    W3 = jax.random.normal(ks[6], (1, 32), dtype=jnp.float32) * (1.0 / np.sqrt(32))
    b3 = jnp.zeros((1,), dtype=jnp.float32)
    return {
        'user_tensor': user_tensor,
        'product_tensor': product_tensor,
        'user_table': user_table,
        'product_table': product_table,
        'W1': W1, 'b1': b1,
        'W2': W2, 'b2': b2,
        'W3': W3, 'b3': b3,
    }


def reference(user_tensor, product_tensor, user_table, product_table, W1, b1, W2, b2, W3, b3):
    u = jnp.take(user_table, user_tensor, axis=0)
    p = jnp.take(product_table, product_tensor, axis=0)
    x = jnp.concatenate([u, p], axis=1)
    x = jax.nn.relu(x @ W1.T + b1)
    x = jax.nn.relu(x @ W2.T + b2)
    out = (x @ W3.T + b3)
    return jnp.squeeze(out, axis=-1)

if __name__ == "__main__":
    import jax
    _d = setup_inputs()
    print(jax.jit(kernel)(*tuple(_d.values())))

</pallas_src>

<mosaic_0001>
#map = affine_map<(d0, d1) -> (0, 0)>
#map1 = affine_map<(d0, d1) -> (0)>
#map2 = affine_map<(d0, d1) -> (0, 0, 0)>
module attributes {stable_mosaic.version = 14 : i64} {
  func.func @_gather_body(%arg0: i32, %arg1: i32, %arg2: memref<253952x128xf32, #tpu.memory_space<hbm>>, %arg3: memref<28672x128xf32, #tpu.memory_space<hbm>>, %arg4: memref<16384xi32, #tpu.memory_space<hbm>>, %arg5: memref<16384xi32, #tpu.memory_space<hbm>>, %arg6: memref<32x128x128xf32, #tpu.memory_space<hbm>>, %arg7: memref<32x128x128xf32, #tpu.memory_space<hbm>>, %arg8: memref<512xi32, #tpu.memory_space<vmem>>, %arg9: memref<512xi32, #tpu.memory_space<vmem>>, %arg10: memref<512xi32, #tpu.memory_space<vmem>>, %arg11: memref<512xi32, #tpu.memory_space<vmem>>, %arg12: memref<512x128xf32, #tpu.memory_space<vmem>>, %arg13: memref<128x128xf32, #tpu.memory_space<vmem>>, %arg14: memref<128x128xf32, #tpu.memory_space<vmem>>, %arg15: memref<!tpu.dma_semaphore, #tpu.memory_space<semaphore_mem>>, %arg16: memref<!tpu.dma_semaphore, #tpu.memory_space<semaphore_mem>>) attributes {dimension_semantics = [#tpu.dimension_semantics<core_parallel>, #tpu.dimension_semantics<subcore_parallel>], iteration_bounds = array<i64: 2, 16>, scalar_prefetch = 0 : i64, scratch_operands = 9 : i64, tpu.core_type = #tpu.core_type<sc_vector_subcore>, window_params = [{transform_indices = #map}, {transform_indices = #map}, {transform_indices = #map1}, {transform_indices = #map1}, {transform_indices = #map2}, {transform_indices = #map2}]} {
    %mul3A = arith.constant 16 : i32
    %mul3A_0 = arith.muli %arg0, %mul3A : i32
    %add3A = arith.addi %mul3A_0, %arg1 : i32
    %mul3A_1 = arith.constant 512 : i32
    %mul3A_2 = arith.muli %add3A, %mul3A_1 : i32
    "tpu.region"() ({
      %run_scoped3A = tpu.sem_alloc : memref<!tpu.dma_semaphore, #tpu.memory_space<semaphore_mem>>
      %dma_start3A_149 = tpu.memref_slice %arg4[%mul3A_2] : memref<16384xi32, #tpu.memory_space<hbm>> -> memref<512xi32, #tpu.memory_space<hbm>>
      %dma_start3A_150 = tpu.memref_slice %arg4[%mul3A_2] : memref<16384xi32, #tpu.memory_space<hbm>> -> memref<512xi32, #tpu.memory_space<hbm>>
      tpu.enqueue_dma source(%dma_start3A_150 : memref<512xi32, #tpu.memory_space<hbm>>) target(%arg8 : memref<512xi32, #tpu.memory_space<vmem>>) target_semaphore(%run_scoped3A : memref<!tpu.dma_semaphore, #tpu.memory_space<semaphore_mem>>)
      %dma_wait3A_151 = tpu.memref_slice %arg4[%mul3A_2] : memref<16384xi32, #tpu.memory_space<hbm>> -> memref<512xi32, #tpu.memory_space<hbm>>
      %dma_wait3A_152 = tpu.memref_slice %arg4[%mul3A_2] : memref<16384xi32, #tpu.memory_space<hbm>> -> memref<512xi32, #tpu.memory_space<hbm>>
      tpu.wait_dma2 semaphore(%run_scoped3A : memref<!tpu.dma_semaphore, #tpu.memory_space<semaphore_mem>>) src(%dma_wait3A_152 : memref<512xi32, #tpu.memory_space<hbm>>) dst(%arg8 : memref<512xi32, #tpu.memory_space<vmem>>)
      tpu.yield
    }) : () -> ()
    "tpu.region"() ({
      %run_scoped3A = tpu.sem_alloc : memref<!tpu.dma_semaphore, #tpu.memory_space<semaphore_mem>>
      %dma_start3A_149 = tpu.memref_slice %arg5[%mul3A_2] : memref<16384xi32, #tpu.memory_space<hbm>> -> memref<512xi32, #tpu.memory_space<hbm>>
      %dma_start3A_150 = tpu.memref_slice %arg5[%mul3A_2] : memref<16384xi32, #tpu.memory_space<hbm>> -> memref<512xi32, #tpu.memory_space<hbm>>
      tpu.enqueue_dma source(%dma_start3A_150 : memref<512xi32, #tpu.memory_space<hbm>>) target(%arg9 : memref<512xi32, #tpu.memory_space<vmem>>) target_semaphore(%run_scoped3A : memref<!tpu.dma_semaphore, #tpu.memory_space<semaphore_mem>>)
      %dma_wait3A_151 = tpu.memref_slice %arg5[%mul3A_2] : memref<16384xi32, #tpu.memory_space<hbm>> -> memref<512xi32, #tpu.memory_space<hbm>>
      %dma_wait3A_152 = tpu.memref_slice %arg5[%mul3A_2] : memref<16384xi32, #tpu.memory_space<hbm>> -> memref<512xi32, #tpu.memory_space<hbm>>
      tpu.wait_dma2 semaphore(%run_scoped3A : memref<!tpu.dma_semaphore, #tpu.memory_space<semaphore_mem>>) src(%dma_wait3A_152 : memref<512xi32, #tpu.memory_space<hbm>>) dst(%arg9 : memref<512xi32, #tpu.memory_space<vmem>>)
      tpu.yield
    }) : () -> ()
    %scan3A = arith.constant 0 : i32
    %scan3A_3 = arith.constant 32 : i32
    %scan3A_4 = arith.addi %scan3A, %scan3A_3 : i32
    %scan3A_5 = arith.constant 1 : i32
    scf.for %scan3A_149 = %scan3A to %scan3A_4 step %scan3A_5  : i32 {
      %mul3A_150 = arith.constant 16 : i32
      %mul3A_151 = arith.muli %scan3A_149, %mul3A_150 : i32
      %multiple_of3A = tpu.assume_multiple %mul3A_151, 16 : i32
      %get3A = arith.index_cast %multiple_of3A : i32 to index
      %get3A_152 = tpu.vector_load %arg8[%get3A] {strides = array<i32>} : memref<512xi32, #tpu.memory_space<vmem>>, vector<16xi32>,
      %shift_right_logical3A = arith.constant 14 : i32
      %shift_right_logical3A_153 = vector.broadcast %shift_right_logical3A : i32 to vector<16xi32>
      %shift_right_logical3A_154 = arith.shrui %get3A_152, %shift_right_logical3A_153 : vector<16xi32>
      %shift_left3A = arith.constant 12 : i32
      %shift_left3A_155 = vector.broadcast %shift_left3A : i32 to vector<16xi32>
      %shift_left3A_156 = arith.shli %shift_right_logical3A_154, %shift_left3A_155 : vector<16xi32>
      %and3A = arith.constant 4095 : i32
      %and3A_157 = vector.broadcast %and3A : i32 to vector<16xi32>
      %and3A_158 = arith.andi %get3A_152, %and3A_157 : vector<16xi32>
      %or3A = arith.ori %shift_left3A_156, %and3A_158 : vector<16xi32>
      %swap3A = arith.index_cast %multiple_of3A : i32 to index
      %swap3A_159 = tpu.vector_load %arg10[%swap3A] {strides = array<i32>} : memref<512xi32, #tpu.memory_space<vmem>>, vector<16xi32>,
      tpu.vector_store %arg10[%swap3A], %or3A {strides = array<i32>} : memref<512xi32, #tpu.memory_space<vmem>>, vector<16xi32>,
      %shift_right_logical3A_160 = arith.constant 12 : i32
      %shift_right_logical3A_161 = vector.broadcast %shift_right_logical3A_160 : i32 to vector<16xi32>
      %shift_right_logical3A_162 = arith.shrui %get3A_152, %shift_right_logical3A_161 : vector<16xi32>
      %and3A_163 = arith.constant 3 : i32
      %and3A_164 = vector.broadcast %and3A_163 : i32 to vector<16xi32>
      %and3A_165 = arith.andi %shift_right_logical3A_162, %and3A_164 : vector<16xi32>
      %swap3A_166 = arith.index_cast %multiple_of3A : i32 to index
      %swap3A_167 = tpu.vector_load %arg11[%swap3A_166] {strides = array<i32>} : memref<512xi32, #tpu.memory_space<vmem>>, vector<16xi32>,
      tpu.vector_store %arg11[%swap3A_166], %and3A_165 {strides = array<i32>} : memref<512xi32, #tpu.memory_space<vmem>>, vector<16xi32>,
    }
    %scan3A_6 = arith.constant 32 : i32
    %dma_start3A = arith.constant 0 : i32
    %dma_start3A_7 = arith.constant 0 : i32
    %dma_start3A_8 = tpu.memref_slice %arg12[%dma_start3A, %dma_start3A_7] : memref<512x128xf32, #tpu.memory_space<vmem>> -> memref<128x128xf32, #tpu.memory_space<vmem>>
    %dma_start3A_9 = arith.constant 0 : i32
    %dma_start3A_10 = tpu.memref_slice %arg10[%dma_start3A_9] : memref<512xi32, #tpu.memory_space<vmem>> -> memref<128xi32, #tpu.memory_space<vmem>>
    %dma_start3A_11 = arith.constant 0 : i32
    %dma_start3A_12 = arith.constant 0 : i32
    %dma_start3A_13 = tpu.memref_slice %arg2[%dma_start3A_11, %dma_start3A_12] : memref<253952x128xf32, #tpu.memory_space<hbm>> -> memref<253952x128xf32, #tpu.memory_space<hbm>>
    tpu.enqueue_indirect_dma source(%dma_start3A_13 : memref<253952x128xf32, #tpu.memory_space<hbm>>) target(%dma_start3A_8 : memref<128x128xf32, #tpu.memory_space<vmem>>) offsets(%dma_start3A_10 : memref<128xi32, #tpu.memory_space<vmem>>) semaphore(%arg15 : memref<!tpu.dma_semaphore, #tpu.memory_space<semaphore_mem>>)
    %dma_start3A_14 = arith.constant 128 : i32
    %dma_start3A_15 = arith.constant 0 : i32
    %dma_start3A_16 = tpu.memref_slice %arg12[%dma_start3A_14, %dma_start3A_15] : memref<512x128xf32, #tpu.memory_space<vmem>> -> memref<128x128xf32, #tpu.memory_space<vmem>>
    %dma_start3A_17 = arith.constant 128 : i32
    %dma_start3A_18 = tpu.memref_slice %arg10[%dma_start3A_17] : memref<512xi32, #tpu.memory_space<vmem>> -> memref<128xi32, #tpu.memory_space<vmem>>
    %dma_start3A_19 = arith.constant 0 : i32
    %dma_start3A_20 = arith.constant 0 : i32
    %dma_start3A_21 = tpu.memref_slice %arg2[%dma_start3A_19, %dma_start3A_20] : memref<253952x128xf32, #tpu.memory_space<hbm>> -> memref<253952x128xf32, #tpu.memory_space<hbm>>
    tpu.enqueue_indirect_dma source(%dma_start3A_21 : memref<253952x128xf32, #tpu.memory_space<hbm>>) target(%dma_start3A_16 : memref<128x128xf32, #tpu.memory_space<vmem>>) offsets(%dma_start3A_18 : memref<128xi32, #tpu.memory_space<vmem>>) semaphore(%arg15 : memref<!tpu.dma_semaphore, #tpu.memory_space<semaphore_mem>>)
    %dma_start3A_22 = arith.constant 256 : i32
    %dma_start3A_23 = arith.constant 0 : i32
    %dma_start3A_24 = tpu.memref_slice %arg12[%dma_start3A_22, %dma_start3A_23] : memref<512x128xf32, #tpu.memory_space<vmem>> -> memref<128x128xf32, #tpu.memory_space<vmem>>
    %dma_start3A_25 = arith.constant 256 : i32
    %dma_start3A_26 = tpu.memref_slice %arg10[%dma_start3A_25] : memref<512xi32, #tpu.memory_space<vmem>> -> memref<128xi32, #tpu.memory_space<vmem>>
    %dma_start3A_27 = arith.constant 0 : i32
    %dma_start3A_28 = arith.constant 0 : i32
    %dma_start3A_29 = tpu.memref_slice %arg2[%dma_start3A_27, %dma_start3A_28] : memref<253952x128xf32, #tpu.memory_space<hbm>> -> memref<253952x128xf32, #tpu.memory_space<hbm>>
    tpu.enqueue_indirect_dma source(%dma_start3A_29 : memref<253952x128xf32, #tpu.memory_space<hbm>>) target(%dma_start3A_24 : memref<128x128xf32, #tpu.memory_space<vmem>>) offsets(%dma_start3A_26 : memref<128xi32, #tpu.memory_space<vmem>>) semaphore(%arg15 : memref<!tpu.dma_semaphore, #tpu.memory_space<semaphore_mem>>)
    %dma_start3A_30 = arith.constant 384 : i32
    %dma_start3A_31 = arith.constant 0 : i32
    %dma_start3A_32 = tpu.memref_slice %arg12[%dma_start3A_30, %dma_start3A_31] : memref<512x128xf32, #tpu.memory_space<vmem>> -> memref<128x128xf32, #tpu.memory_space<vmem>>
    %dma_start3A_33 = arith.constant 384 : i32
    %dma_start3A_34 = tpu.memref_slice %arg10[%dma_start3A_33] : memref<512xi32, #tpu.memory_space<vmem>> -> memref<128xi32, #tpu.memory_space<vmem>>
    %dma_start3A_35 = arith.constant 0 : i32
    %dma_start3A_36 = arith.constant 0 : i32
    %dma_start3A_37 = tpu.memref_slice %arg2[%dma_start3A_35, %dma_start3A_36] : memref<253952x128xf32, #tpu.memory_space<hbm>> -> memref<253952x128xf32, #tpu.memory_space<hbm>>
    tpu.enqueue_indirect_dma source(%dma_start3A_37 : memref<253952x128xf32, #tpu.memory_space<hbm>>) target(%dma_start3A_32 : memref<128x128xf32, #tpu.memory_space<vmem>>) offsets(%dma_start3A_34 : memref<128xi32, #tpu.memory_space<vmem>>) semaphore(%arg15 : memref<!tpu.dma_semaphore, #tpu.memory_space<semaphore_mem>>)
    %dma_wait3A = arith.constant 0 : i32
    %dma_wait3A_38 = arith.constant 0 : i32
    %dma_wait3A_39 = tpu.memref_slice %arg12[%dma_wait3A, %dma_wait3A_38] : memref<512x128xf32, #tpu.memory_space<vmem>> -> memref<128x128xf32, #tpu.memory_space<vmem>>
    %dma_wait3A_40 = arith.constant 0 : i32
    %dma_wait3A_41 = tpu.memref_slice %arg10[%dma_wait3A_40] : memref<512xi32, #tpu.memory_space<vmem>> -> memref<128xi32, #tpu.memory_space<vmem>>
    %dma_wait3A_42 = arith.constant 0 : i32
    %dma_wait3A_43 = arith.constant 0 : i32
    %dma_wait3A_44 = tpu.memref_slice %arg2[%dma_wait3A_42, %dma_wait3A_43] : memref<253952x128xf32, #tpu.memory_space<hbm>> -> memref<253952x128xf32, #tpu.memory_space<hbm>>
    tpu.wait_indirect_dma semaphore(%arg15 : memref<!tpu.dma_semaphore, #tpu.memory_space<semaphore_mem>>) src(%dma_wait3A_44 : memref<253952x128xf32, #tpu.memory_space<hbm>>) dst(%dma_wait3A_39 : memref<128x128xf32, #tpu.memory_space<vmem>>)
    %dma_wait3A_45 = arith.constant 128 : i32
    %dma_wait3A_46 = arith.constant 0 : i32
    %dma_wait3A_47 = tpu.memref_slice %arg12[%dma_wait3A_45, %dma_wait3A_46] : memref<512x128xf32, #tpu.memory_space<vmem>> -> memref<128x128xf32, #tpu.memory_space<vmem>>
    %dma_wait3A_48 = arith.constant 128 : i32
    %dma_wait3A_49 = tpu.memref_slice %arg10[%dma_wait3A_48] : memref<512xi32, #tpu.memory_space<vmem>> -> memref<128xi32, #tpu.memory_space<vmem>>
    %dma_wait3A_50 = arith.constant 0 : i32
    %dma_wait3A_51 = arith.constant 0 : i32
    %dma_wait3A_52 = tpu.memref_slice %arg2[%dma_wait3A_50, %dma_wait3A_51] : memref<253952x128xf32, #tpu.memory_space<hbm>> -> memref<253952x128xf32, #tpu.memory_space<hbm>>
    tpu.wait_indirect_dma semaphore(%arg15 : memref<!tpu.dma_semaphore, #tpu.memory_space<semaphore_mem>>) src(%dma_wait3A_52 : memref<253952x128xf32, #tpu.memory_space<hbm>>) dst(%dma_wait3A_47 : memref<128x128xf32, #tpu.memory_space<vmem>>)
    %dma_wait3A_53 = arith.constant 256 : i32
    %dma_wait3A_54 = arith.constant 0 : i32
    %dma_wait3A_55 = tpu.memref_slice %arg12[%dma_wait3A_53, %dma_wait3A_54] : memref<512x128xf32, #tpu.memory_space<vmem>> -> memref<128x128xf32, #tpu.memory_space<vmem>>
    %dma_wait3A_56 = arith.constant 256 : i32
    %dma_wait3A_57 = tpu.memref_slice %arg10[%dma_wait3A_56] : memref<512xi32, #tpu.memory_space<vmem>> -> memref<128xi32, #tpu.memory_space<vmem>>
    %dma_wait3A_58 = arith.constant 0 : i32
    %dma_wait3A_59 = arith.constant 0 : i32
    %dma_wait3A_60 = tpu.memref_slice %arg2[%dma_wait3A_58, %dma_wait3A_59] : memref<253952x128xf32, #tpu.memory_space<hbm>> -> memref<253952x128xf32, #tpu.memory_space<hbm>>
    tpu.wait_indirect_dma semaphore(%arg15 : memref<!tpu.dma_semaphore, #tpu.memory_space<semaphore_mem>>) src(%dma_wait3A_60 : memref<253952x128xf32, #tpu.memory_space<hbm>>) dst(%dma_wait3A_55 : memref<128x128xf32, #tpu.memory_space<vmem>>)
    %dma_wait3A_61 = arith.constant 384 : i32
    %dma_wait3A_62 = arith.constant 0 : i32
    %dma_wait3A_63 = tpu.memref_slice %arg12[%dma_wait3A_61, %dma_wait3A_62] : memref<512x128xf32, #tpu.memory_space<vmem>> -> memref<128x128xf32, #tpu.memory_space<vmem>>
    %dma_wait3A_64 = arith.constant 384 : i32
    %dma_wait3A_65 = tpu.memref_slice %arg10[%dma_wait3A_64] : memref<512xi32, #tpu.memory_space<vmem>> -> memref<128xi32, #tpu.memory_space<vmem>>
    %dma_wait3A_66 = arith.constant 0 : i32
    %dma_wait3A_67 = arith.constant 0 : i32
    %dma_wait3A_68 = tpu.memref_slice %arg2[%dma_wait3A_66, %dma_wait3A_67] : memref<253952x128xf32, #tpu.memory_space<hbm>> -> memref<253952x128xf32, #tpu.memory_space<hbm>>
    tpu.wait_indirect_dma semaphore(%arg15 : memref<!tpu.dma_semaphore, #tpu.memory_space<semaphore_mem>>) src(%dma_wait3A_68 : memref<253952x128xf32, #tpu.memory_space<hbm>>) dst(%dma_wait3A_63 : memref<128x128xf32, #tpu.memory_space<vmem>>)
    %iota3A = tpu.iota {dimensions = array<i32: 0>} : vector<16xi32>
    %scan3A_69 = arith.constant 0 : i32
    %scan3A_70 = arith.constant 32 : i32
    %scan3A_71 = arith.addi %scan3A_69, %scan3A_70 : i32
    %scan3A_72 = arith.constant 1 : i32
    scf.for %scan3A_149 = %scan3A_69 to %scan3A_71 step %scan3A_72  : i32 {
      %mul3A_150 = arith.constant 16 : i32
      %mul3A_151 = arith.muli %scan3A_149, %mul3A_150 : i32
      %multiple_of3A = tpu.assume_multiple %mul3A_151, 16 : i32
      %get3A = arith.index_cast %multiple_of3A : i32 to index
      %get3A_152 = tpu.vector_load %arg11[%get3A] {strides = array<i32>} : memref<512xi32, #tpu.memory_space<vmem>>, vector<16xi32>,
      %mul3A_153 = arith.constant 16 : i32
      %mul3A_154 = arith.muli %scan3A_149, %mul3A_153 : i32
      %add3A_155 = arith.constant 0 : i32
      %add3A_156 = arith.addi %mul3A_154, %add3A_155 : i32
      %mul3A_157 = arith.constant 4 : i32
      %mul3A_158 = arith.muli %scan3A_149, %mul3A_157 : i32
      %add3A_159 = arith.constant 0 : i32
      %add3A_160 = arith.addi %mul3A_158, %add3A_159 : i32
      %slice3A = vector.extract_strided_slice %get3A_152 {offsets = [0], sizes = [1], strides = [1]} : vector<16xi32> to vector<1xi32>
      %squeeze3A = vector.extract %slice3A[0] : i32 from vector<1xi32>
      %mul3A_161 = arith.constant 32 : i32
      %mul3A_162 = arith.muli %squeeze3A, %mul3A_161 : i32
      %broadcast_in_dim3A = vector.broadcast %add3A_156 : i32 to vector<16xi32>
      %add3A_163 = arith.constant 0 : i32
      %add3A_164 = arith.addi %mul3A_162, %add3A_163 : i32
      %add3A_165 = vector.broadcast %add3A_164 : i32 to vector<16xi32>
      %add3A_166 = arith.addi %add3A_165, %iota3A : vector<16xi32>
      %gather3A = tpu.vector_load_idx %arg12[%broadcast_in_dim3A, %add3A_166] : memref<512x128xf32, #tpu.memory_space<vmem>>[vector<16xi32>, vector<16xi32>], vector<16xf32>,
      %swap3A = arith.index_cast %add3A_160 : i32 to index
      %swap3A_167 = arith.constant 0 : index
      %swap3A_168 = tpu.vector_load %arg13[%swap3A, %swap3A_167] {strides = array<i32>} : memref<128x128xf32, #tpu.memory_space<vmem>>, vector<16xf32>,
      tpu.vector_store %arg13[%swap3A, %swap3A_167], %gather3A {strides = array<i32>} : memref<128x128xf32, #tpu.memory_space<vmem>>, vector<16xf32>,
      %add3A_169 = arith.constant 16 : i32
      %add3A_170 = arith.addi %mul3A_162, %add3A_169 : i32
      %add3A_171 = vector.broadcast %add3A_170 : i32 to vector<16xi32>
      %add3A_172 = arith.addi %add3A_171, %iota3A : vector<16xi32>
      %gather3A_173 = tpu.vector_load_idx %arg12[%broadcast_in_dim3A, %add3A_172] : memref<512x128xf32, #tpu.memory_space<vmem>>[vector<16xi32>, vector<16xi32>], vector<16xf32>,
      %swap3A_174 = arith.index_cast %add3A_160 : i32 to index
      %swap3A_175 = arith.constant 16 : index
      %swap3A_176 = tpu.vector_load %arg13[%swap3A_174, %swap3A_175] {strides = array<i32>} : memref<128x128xf32, #tpu.memory_space<vmem>>, vector<16xf32>,
      tpu.vector_store %arg13[%swap3A_174, %swap3A_175], %gather3A_173 {strides = array<i32>} : memref<128x128xf32, #tpu.memory_space<vmem>>, vector<16xf32>,
      %mul3A_177 = arith.constant 16 : i32
      %mul3A_178 = arith.muli %scan3A_149, %mul3A_177 : i32
      %add3A_179 = arith.constant 1 : i32
      %add3A_180 = arith.addi %mul3A_178, %add3A_179 : i32
      %mul3A_181 = arith.constant 4 : i32
      %mul3A_182 = arith.muli %scan3A_149, %mul3A_181 : i32
      %add3A_183 = arith.constant 0 : i32
      %add3A_184 = arith.addi %mul3A_182, %add3A_183 : i32
      %slice3A_185 = vector.extract_strided_slice %get3A_152 {offsets = [1], sizes = [1], strides = [1]} : vector<16xi32> to vector<1xi32>
      %squeeze3A_186 = vector.extract %slice3A_185[0] : i32 from vector<1xi32>
      %mul3A_187 = arith.constant 32 : i32
      %mul3A_188 = arith.muli %squeeze3A_186, %mul3A_187 : i32
      %broadcast_in_dim3A_189 = vector.broadcast %add3A_180 : i32 to vector<16xi32>
      %add3A_190 = arith.constant 0 : i32
      %add3A_191 = arith.addi %mul3A_188, %add3A_190 : i32
      %add3A_192 = vector.broadcast %add3A_191 : i32 to vector<16xi32>
      %add3A_193 = arith.addi %add3A_192, %iota3A : vector<16xi32>
      %gather3A_194 = tpu.vector_load_idx %arg12[%broadcast_in_dim3A_189, %add3A_193] : memref<512x128xf32, #tpu.memory_space<vmem>>[vector<16xi32>, vector<16xi32>], vector<16xf32>,
      %swap3A_195 = arith.index_cast %add3A_184 : i32 to index
      %swap3A_196 = arith.constant 32 : index
      %swap3A_197 = tpu.vector_load %arg13[%swap3A_195, %swap3A_196] {strides = array<i32>} : memref<128x128xf32, #tpu.memory_space<vmem>>, vector<16xf32>,
      tpu.vector_store %arg13[%swap3A_195, %swap3A_196], %gather3A_194 {strides = array<i32>} : memref<128x128xf32, #tpu.memory_space<vmem>>, vector<16xf32>,
      %add3A_198 = arith.constant 16 : i32
      %add3A_199 = arith.addi %mul3A_188, %add3A_198 : i32
      %add3A_200 = vector.broadcast %add3A_199 : i32 to vector<16xi32>
      %add3A_201 = arith.addi %add3A_200, %iota3A : vector<16xi32>
      %gather3A_202 = tpu.vector_load_idx %arg12[%broadcast_in_dim3A_189, %add3A_201] : memref<512x128xf32, #tpu.memory_space<vmem>>[vector<16xi32>, vector<16xi32>], vector<16xf32>,
      %swap3A_203 = arith.index_cast %add3A_184 : i32 to index
      %swap3A_204 = arith.constant 48 : index
      %swap3A_205 = tpu.vector_load %arg13[%swap3A_203, %swap3A_204] {strides = array<i32>} : memref<128x128xf32, #tpu.memory_space<vmem>>, vector<16xf32>,
      tpu.vector_store %arg13[%swap3A_203, %swap3A_204], %gather3A_202 {strides = array<i32>} : memref<128x128xf32, #tpu.memory_space<vmem>>, vector<16xf32>,
      %mul3A_206 = arith.constant 16 : i32
      %mul3A_207 = arith.muli %scan3A_149, %mul3A_206 : i32
      %add3A_208 = arith.constant 2 : i32
      %add3A_209 = arith.addi %mul3A_207, %add3A_208 : i32
      %mul3A_210 = arith.constant 4 : i32
      %mul3A_211 = arith.muli %scan3A_149, %mul3A_210 : i32
      %add3A_212 = arith.constant 0 : i32
      %add3A_213 = arith.addi %mul3A_211, %add3A_212 : i32
      %slice3A_214 = vector.extract_strided_slice %get3A_152 {offsets = [2], sizes = [1], strides = [1]} : vector<16xi32> to vector<1xi32>
      %squeeze3A_215 = vector.extract %slice3A_214[0] : i32 from vector<1xi32>
      %mul3A_216 = arith.constant 32 : i32
      %mul3A_217 = arith.muli %squeeze3A_215, %mul3A_216 : i32
      %broadcast_in_dim3A_218 = vector.broadcast %add3A_209 : i32 to vector<16xi32>
      %add3A_219 = arith.constant 0 : i32
      %add3A_220 = arith.addi %mul3A_217, %add3A_219 : i32
      %add3A_221 = vector.broadcast %add3A_220 : i32 to vector<16xi32>
      %add3A_222 = arith.addi %add3A_221, %iota3A : vector<16xi32>
      %gather3A_223 = tpu.vector_load_idx %arg12[%broadcast_in_dim3A_218, %add3A_222] : memref<512x128xf32, #tpu.memory_space<vmem>>[vector<16xi32>, vector<16xi32>], vector<16xf32>,
      %swap3A_224 = arith.index_cast %add3A_213 : i32 to index
      %swap3A_225 = arith.constant 64 : index
      %swap3A_226 = tpu.vector_load %arg13[%swap3A_224, %swap3A_225] {strides = array<i32>} : memref<128x128xf32, #tpu.memory_space<vmem>>, vector<16xf32>,
      tpu.vector_store %arg13[%swap3A_224, %swap3A_225], %gather3A_223 {strides = array<i32>} : memref<128x128xf32, #tpu.memory_space<vmem>>, vector<16xf32>,
      %add3A_227 = arith.constant 16 : i32
      %add3A_228 = arith.addi %mul3A_217, %add3A_227 : i32
      %add3A_229 = vector.broadcast %add3A_228 : i32 to vector<16xi32>
      %add3A_230 = arith.addi %add3A_229, %iota3A : vector<16xi32>
      %gather3A_231 = tpu.vector_load_idx %arg12[%broadcast_in_dim3A_218, %add3A_230] : memref<512x128xf32, #tpu.memory_space<vmem>>[vector<16xi32>, vector<16xi32>], vector<16xf32>,
      %swap3A_232 = arith.index_cast %add3A_213 : i32 to index
      %swap3A_233 = arith.constant 80 : index
      %swap3A_234 = tpu.vector_load %arg13[%swap3A_232, %swap3A_233] {strides = array<i32>} : memref<128x128xf32, #tpu.memory_space<vmem>>, vector<16xf32>,
      tpu.vector_store %arg13[%swap3A_232, %swap3A_233], %gather3A_231 {strides = array<i32>} : memref<128x128xf32, #tpu.memory_space<vmem>>, vector<16xf32>,
      %mul3A_235 = arith.constant 16 : i32
      %mul3A_236 = arith.muli %scan3A_149, %mul3A_235 : i32
      %add3A_237 = arith.constant 3 : i32
      %add3A_238 = arith.addi %mul3A_236, %add3A_237 : i32
      %mul3A_239 = arith.constant 4 : i32
      %mul3A_240 = arith.muli %scan3A_149, %mul3A_239 : i32
      %add3A_241 = arith.constant 0 : i32
      %add3A_242 = arith.addi %mul3A_240, %add3A_241 : i32
      %slice3A_243 = vector.extract_strided_slice %get3A_152 {offsets = [3], sizes = [1], strides = [1]} : vector<16xi32> to vector<1xi32>
      %squeeze3A_244 = vector.extract %slice3A_243[0] : i32 from vector<1xi32>
      %mul3A_245 = arith.constant 32 : i32
      %mul3A_246 = arith.muli %squeeze3A_244, %mul3A_245 : i32
      %broadcast_in_dim3A_247 = vector.broadcast %add3A_238 : i32 to vector<16xi32>
      %add3A_248 = arith.constant 0 : i32
      %add3A_249 = arith.addi %mul3A_246, %add3A_248 : i32
      %add3A_250 = vector.broadcast %add3A_249 : i32 to vector<16xi32>
      %add3A_251 = arith.addi %add3A_250, %iota3A : vector<16xi32>
      %gather3A_252 = tpu.vector_load_idx %arg12[%broadcast_in_dim3A_247, %add3A_251] : memref<512x128xf32, #tpu.memory_space<vmem>>[vector<16xi32>, vector<16xi32>], vector<16xf32>,
      %swap3A_253 = arith.index_cast %add3A_242 : i32 to index
      %swap3A_254 = arith.constant 96 : index
      %swap3A_255 = tpu.vector_load %arg13[%swap3A_253, %swap3A_254] {strides = array<i32>} : memref<128x128xf32, #tpu.memory_space<vmem>>, vector<16xf32>,
      tpu.vector_store %arg13[%swap3A_253, %swap3A_254], %gather3A_252 {strides = array<i32>} : memref<128x128xf32, #tpu.memory_space<vmem>>, vector<16xf32>,
      %add3A_256 = arith.constant 16 : i32
      %add3A_257 = arith.addi %mul3A_246, %add3A_256 : i32
      %add3A_258 = vector.broadcast %add3A_257 : i32 to vector<16xi32>
      %add3A_259 = arith.addi %add3A_258, %iota3A : vector<16xi32>
      %gather3A_260 = tpu.vector_load_idx %arg12[%broadcast_in_dim3A_247, %add3A_259] : memref<512x128xf32, #tpu.memory_space<vmem>>[vector<16xi32>, vector<16xi32>], vector<16xf32>,
      %swap3A_261 = arith.index_cast %add3A_242 : i32 to index
      %swap3A_262 = arith.constant 112 : index
      %swap3A_263 = tpu.vector_load %arg13[%swap3A_261, %swap3A_262] {strides = array<i32>} : memref<128x128xf32, #tpu.memory_space<vmem>>, vector<16xf32>,
      tpu.vector_store %arg13[%swap3A_261, %swap3A_262], %gather3A_260 {strides = array<i32>} : memref<128x128xf32, #tpu.memory_space<vmem>>, vector<16xf32>,
      %mul3A_264 = arith.constant 16 : i32
      %mul3A_265 = arith.muli %scan3A_149, %mul3A_264 : i32
      %add3A_266 = arith.constant 4 : i32
      %add3A_267 = arith.addi %mul3A_265, %add3A_266 : i32
      %mul3A_268 = arith.constant 4 : i32
      %mul3A_269 = arith.muli %scan3A_149, %mul3A_268 : i32
      %add3A_270 = arith.constant 1 : i32
      %add3A_271 = arith.addi %mul3A_269, %add3A_270 : i32
      %slice3A_272 = vector.extract_strided_slice %get3A_152 {offsets = [4], sizes = [1], strides = [1]} : vector<16xi32> to vector<1xi32>
      %squeeze3A_273 = vector.extract %slice3A_272[0] : i32 from vector<1xi32>
      %mul3A_274 = arith.constant 32 : i32
      %mul3A_275 = arith.muli %squeeze3A_273, %mul3A_274 : i32
      %broadcast_in_dim3A_276 = vector.broadcast %add3A_267 : i32 to vector<16xi32>
      %add3A_277 = arith.constant 0 : i32
      %add3A_278 = arith.addi %mul3A_275, %add3A_277 : i32
      %add3A_279 = vector.broadcast %add3A_278 : i32 to vector<16xi32>
      %add3A_280 = arith.addi %add3A_279, %iota3A : vector<16xi32>
      %gather3A_281 = tpu.vector_load_idx %arg12[%broadcast_in_dim3A_276, %add3A_280] : memref<512x128xf32, #tpu.memory_space<vmem>>[vector<16xi32>, vector<16xi32>], vector<16xf32>,
      %swap3A_282 = arith.index_cast %add3A_271 : i32 to index
      %swap3A_283 = arith.constant 0 : index
      %swap3A_284 = tpu.vector_load %arg13[%swap3A_282, %swap3A_283] {strides = array<i32>} : memref<128x128xf32, #tpu.memory_space<vmem>>, vector<16xf32>,
      tpu.vector_store %arg13[%swap3A_282, %swap3A_283], %gather3A_281 {strides = array<i32>} : memref<128x128xf32, #tpu.memory_space<vmem>>, vector<16xf32>,
      %add3A_285 = arith.constant 16 : i32
      %add3A_286 = arith.addi %mul3A_275, %add3A_285 : i32
      %add3A_287 = vector.broadcast %add3A_286 : i32 to vector<16xi32>
      %add3A_288 = arith.addi %add3A_287, %iota3A : vector<16xi32>
      %gather3A_289 = tpu.vector_load_idx %arg12[%broadcast_in_dim3A_276, %add3A_288] : memref<512x128xf32, #tpu.memory_space<vmem>>[vector<16xi32>, vector<16xi32>], vector<16xf32>,
      %swap3A_290 = arith.index_cast %add3A_271 : i32 to index
      %swap3A_291 = arith.constant 16 : index
      %swap3A_292 = tpu.vector_load %arg13[%swap3A_290, %swap3A_291] {strides = array<i32>} : memref<128x128xf32, #tpu.memory_space<vmem>>, vector<16xf32>,
      tpu.vector_store %arg13[%swap3A_290, %swap3A_291], %gather3A_289 {strides = array<i32>} : memref<128x128xf32, #tpu.memory_space<vmem>>, vector<16xf32>,
      %mul3A_293 = arith.constant 16 : i32
      %mul3A_294 = arith.muli %scan3A_149, %mul3A_293 : i32
      %add3A_295 = arith.constant 5 : i32
      %add3A_296 = arith.addi %mul3A_294, %add3A_295 : i32
      %mul3A_297 = arith.constant 4 : i32
      %mul3A_298 = arith.muli %scan3A_149, %mul3A_297 : i32
      %add3A_299 = arith.constant 1 : i32
      %add3A_300 = arith.addi %mul3A_298, %add3A_299 : i32
      %slice3A_301 = vector.extract_strided_slice %get3A_152 {offsets = [5], sizes = [1], strides = [1]} : vector<16xi32> to vector<1xi32>
      %squeeze3A_302 = vector.extract %slice3A_301[0] : i32 from vector<1xi32>
      %mul3A_303 = arith.constant 32 : i32
      %mul3A_304 = arith.muli %squeeze3A_302, %mul3A_303 : i32
      %broadcast_in_dim3A_305 = vector.broadcast %add3A_296 : i32 to vector<16xi32>
      %add3A_306 = arith.constant 0 : i32
      %add3A_307 = arith.addi %mul3A_304, %add3A_306 : i32
      %add3A_308 = vector.broadcast %add3A_307 : i32 to vector<16xi32>
      %add3A_309 = arith.addi %add3A_308, %iota3A : vector<16xi32>
      %gather3A_310 = tpu.vector_load_idx %arg12[%broadcast_in_dim3A_305, %add3A_309] : memref<512x128xf32, #tpu.memory_space<vmem>>[vector<16xi32>, vector<16xi32>], vector<16xf32>,
      %swap3A_311 = arith.index_cast %add3A_300 : i32 to index
      %swap3A_312 = arith.constant 32 : index
      %swap3A_313 = tpu.vector_load %arg13[%swap3A_311, %swap3A_312] {strides = array<i32>} : memref<128x128xf32, #tpu.memory_space<vmem>>, vector<16xf32>,
      tpu.vector_store %arg13[%swap3A_311, %swap3A_312], %gather3A_310 {strides = array<i32>} : memref<128x128xf32, #tpu.memory_space<vmem>>, vector<16xf32>,
      %add3A_314 = arith.constant 16 : i32
      %add3A_315 = arith.addi %mul3A_304, %add3A_314 : i32
      %add3A_316 = vector.broadcast %add3A_315 : i32 to vector<16xi32>
      %add3A_317 = arith.addi %add3A_316, %iota3A : vector<16xi32>
      %gather3A_318 = tpu.vector_load_idx %arg12[%broadcast_in_dim3A_305, %add3A_317] : memref<512x128xf32, #tpu.memory_space<vmem>>[vector<16xi32>, vector<16xi32>], vector<16xf32>,
      %swap3A_319 = arith.index_cast %add3A_300 : i32 to index
      %swap3A_320 = arith.constant 48 : index
      %swap3A_321 = tpu.vector_load %arg13[%swap3A_319, %swap3A_320] {strides = array<i32>} : memref<128x128xf32, #tpu.memory_space<vmem>>, vector<16xf32>,
      tpu.vector_store %arg13[%swap3A_319, %swap3A_320], %gather3A_318 {strides = array<i32>} : memref<128x128xf32, #tpu.memory_space<vmem>>, vector<16xf32>,
      %mul3A_322 = arith.constant 16 : i32
      %mul3A_323 = arith.muli %scan3A_149, %mul3A_322 : i32
      %add3A_324 = arith.constant 6 : i32
      %add3A_325 = arith.addi %mul3A_323, %add3A_324 : i32
      %mul3A_326 = arith.constant 4 : i32
      %mul3A_327 = arith.muli %scan3A_149, %mul3A_326 : i32
      %add3A_328 = arith.constant 1 : i32
      %add3A_329 = arith.addi %mul3A_327, %add3A_328 : i32
      %slice3A_330 = vector.extract_strided_slice %get3A_152 {offsets = [6], sizes = [1], strides = [1]} : vector<16xi32> to vector<1xi32>
      %squeeze3A_331 = vector.extract %slice3A_330[0] : i32 from vector<1xi32>
      %mul3A_332 = arith.constant 32 : i32
      %mul3A_333 = arith.muli %squeeze3A_331, %mul3A_332 : i32
      %broadcast_in_dim3A_334 = vector.broadcast %add3A_325 : i32 to vector<16xi32>
      %add3A_335 = arith.constant 0 : i32
      %add3A_336 = arith.addi %mul3A_333, %add3A_335 : i32
      %add3A_337 = vector.broadcast %add3A_336 : i32 to vector<16xi32>
      %add3A_338 = arith.addi %add3A_337, %iota3A : vector<16xi32>
      %gather3A_339 = tpu.vector_load_idx %arg12[%broadcast_in_dim3A_334, %add3A_338] : memref<512x128xf32, #tpu.memory_space<vmem>>[vector<16xi32>, vector<16xi32>], vector<16xf32>,
      %swap3A_340 = arith.index_cast %add3A_329 : i32 to index
      %swap3A_341 = arith.constant 64 : index
      %swap3A_342 = tpu.vector_load %arg13[%swap3A_340, %swap3A_341] {strides = array<i32>} : memref<128x128xf32, #tpu.memory_space<vmem>>, vector<16xf32>,
      tpu.vector_store %arg13[%swap3A_340, %swap3A_341], %gather3A_339 {strides = array<i32>} : memref<128x128xf32, #tpu.memory_space<vmem>>, vector<16xf32>,
      %add3A_343 = arith.constant 16 : i32
      %add3A_344 = arith.addi %mul3A_333, %add3A_343 : i32
      %add3A_345 = vector.broadcast %add3A_344 : i32 to vector<16xi32>
      %add3A_346 = arith.addi %add3A_345, %iota3A : vector<16xi32>
      %gather3A_347 = tpu.vector_load_idx %arg12[%broadcast_in_dim3A_334, %add3A_346] : memref<512x128xf32, #tpu.memory_space<vmem>>[vector<16xi32>, vector<16xi32>], vector<16xf32>,
      %swap3A_348 = arith.index_cast %add3A_329 : i32 to index
      %swap3A_349 = arith.constant 80 : index
      %swap3A_350 = tpu.vector_load %arg13[%swap3A_348, %swap3A_349] {strides = array<i32>} : memref<128x128xf32, #tpu.memory_space<vmem>>, vector<16xf32>,
      tpu.vector_store %arg13[%swap3A_348, %swap3A_349], %gather3A_347 {strides = array<i32>} : memref<128x128xf32, #tpu.memory_space<vmem>>, vector<16xf32>,
      %mul3A_351 = arith.constant 16 : i32
      %mul3A_352 = arith.muli %scan3A_149, %mul3A_351 : i32
      %add3A_353 = arith.constant 7 : i32
      %add3A_354 = arith.addi %mul3A_352, %add3A_353 : i32
      %mul3A_355 = arith.constant 4 : i32
      %mul3A_356 = arith.muli %scan3A_149, %mul3A_355 : i32
      %add3A_357 = arith.constant 1 : i32
      %add3A_358 = arith.addi %mul3A_356, %add3A_357 : i32
      %slice3A_359 = vector.extract_strided_slice %get3A_152 {offsets = [7], sizes = [1], strides = [1]} : vector<16xi32> to vector<1xi32>
      %squeeze3A_360 = vector.extract %slice3A_359[0] : i32 from vector<1xi32>
      %mul3A_361 = arith.constant 32 : i32
      %mul3A_362 = arith.muli %squeeze3A_360, %mul3A_361 : i32
      %broadcast_in_dim3A_363 = vector.broadcast %add3A_354 : i32 to vector<16xi32>
      %add3A_364 = arith.constant 0 : i32
      %add3A_365 = arith.addi %mul3A_362, %add3A_364 : i32
      %add3A_366 = vector.broadcast %add3A_365 : i32 to vector<16xi32>
      %add3A_367 = arith.addi %add3A_366, %iota3A : vector<16xi32>
      %gather3A_368 = tpu.vector_load_idx %arg12[%broadcast_in_dim3A_363, %add3A_367] : memref<512x128xf32, #tpu.memory_space<vmem>>[vector<16xi32>, vector<16xi32>], vector<16xf32>,
      %swap3A_369 = arith.index_cast %add3A_358 : i32 to index
      %swap3A_370 = arith.constant 96 : index
      %swap3A_371 = tpu.vector_load %arg13[%swap3A_369, %swap3A_370] {strides = array<i32>} : memref<128x128xf32, #tpu.memory_space<vmem>>, vector<16xf32>,
      tpu.vector_store %arg13[%swap3A_369, %swap3A_370], %gather3A_368 {strides = array<i32>} : memref<128x128xf32, #tpu.memory_space<vmem>>, vector<16xf32>,
      %add3A_372 = arith.constant 16 : i32
      %add3A_373 = arith.addi %mul3A_362, %add3A_372 : i32
      %add3A_374 = vector.broadcast %add3A_373 : i32 to vector<16xi32>
      %add3A_375 = arith.addi %add3A_374, %iota3A : vector<16xi32>
      %gather3A_376 = tpu.vector_load_idx %arg12[%broadcast_in_dim3A_363, %add3A_375] : memref<512x128xf32, #tpu.memory_space<vmem>>[vector<16xi32>, vector<16xi32>], vector<16xf32>,
      %swap3A_377 = arith.index_cast %add3A_358 : i32 to index
      %swap3A_378 = arith.constant 112 : index
      %swap3A_379 = tpu.vector_load %arg13[%swap3A_377, %swap3A_378] {strides = array<i32>} : memref<128x128xf32, #tpu.memory_space<vmem>>, vector<16xf32>,
      tpu.vector_store %arg13[%swap3A_377, %swap3A_378], %gather3A_376 {strides = array<i32>} : memref<128x128xf32, #tpu.memory_space<vmem>>, vector<16xf32>,
      %mul3A_380 = arith.constant 16 : i32
      %mul3A_381 = arith.muli %scan3A_149, %mul3A_380 : i32
      %add3A_382 = arith.constant 8 : i32
      %add3A_383 = arith.addi %mul3A_381, %add3A_382 : i32
      %mul3A_384 = arith.constant 4 : i32
      %mul3A_385 = arith.muli %scan3A_149, %mul3A_384 : i32
      %add3A_386 = arith.constant 2 : i32
      %add3A_387 = arith.addi %mul3A_385, %add3A_386 : i32
      %slice3A_388 = vector.extract_strided_slice %get3A_152 {offsets = [8], sizes = [1], strides = [1]} : vector<16xi32> to vector<1xi32>
      %squeeze3A_389 = vector.extract %slice3A_388[0] : i32 from vector<1xi32>
      %mul3A_390 = arith.constant 32 : i32
      %mul3A_391 = arith.muli %squeeze3A_389, %mul3A_390 : i32
      %broadcast_in_dim3A_392 = vector.broadcast %add3A_383 : i32 to vector<16xi32>
      %add3A_393 = arith.constant 0 : i32
      %add3A_394 = arith.addi %mul3A_391, %add3A_393 : i32
      %add3A_395 = vector.broadcast %add3A_394 : i32 to vector<16xi32>
      %add3A_396 = arith.addi %add3A_395, %iota3A : vector<16xi32>
      %gather3A_397 = tpu.vector_load_idx %arg12[%broadcast_in_dim3A_392, %add3A_396] : memref<512x128xf32, #tpu.memory_space<vmem>>[vector<16xi32>, vector<16xi32>], vector<16xf32>,
      %swap3A_398 = arith.index_cast %add3A_387 : i32 to index
      %swap3A_399 = arith.constant 0 : index
      %swap3A_400 = tpu.vector_load %arg13[%swap3A_398, %swap3A_399] {strides = array<i32>} : memref<128x128xf32, #tpu.memory_space<vmem>>, vector<16xf32>,
      tpu.vector_store %arg13[%swap3A_398, %swap3A_399], %gather3A_397 {strides = array<i32>} : memref<128x128xf32, #tpu.memory_space<vmem>>, vector<16xf32>,
      %add3A_401 = arith.constant 16 : i32
      %add3A_402 = arith.addi %mul3A_391, %add3A_401 : i32
      %add3A_403 = vector.broadcast %add3A_402 : i32 to vector<16xi32>
      %add3A_404 = arith.addi %add3A_403, %iota3A : vector<16xi32>
      %gather3A_405 = tpu.vector_load_idx %arg12[%broadcast_in_dim3A_392, %add3A_404] : memref<512x128xf32, #tpu.memory_space<vmem>>[vector<16xi32>, vector<16xi32>], vector<16xf32>,
      %swap3A_406 = arith.index_cast %add3A_387 : i32 to index
      %swap3A_407 = arith.constant 16 : index
      %swap3A_408 = tpu.vector_load %arg13[%swap3A_406, %swap3A_407] {strides = array<i32>} : memref<128x128xf32, #tpu.memory_space<vmem>>, vector<16xf32>,
      tpu.vector_store %arg13[%swap3A_406, %swap3A_407], %gather3A_405 {strides = array<i32>} : memref<128x128xf32, #tpu.memory_space<vmem>>, vector<16xf32>,
      %mul3A_409 = arith.constant 16 : i32
      %mul3A_410 = arith.muli %scan3A_149, %mul3A_409 : i32
      %add3A_411 = arith.constant 9 : i32
      %add3A_412 = arith.addi %mul3A_410, %add3A_411 : i32
      %mul3A_413 = arith.constant 4 : i32
      %mul3A_414 = arith.muli %scan3A_149, %mul3A_413 : i32
      %add3A_415 = arith.constant 2 : i32
      %add3A_416 = arith.addi %mul3A_414, %add3A_415 : i32
      %slice3A_417 = vector.extract_strided_slice %get3A_152 {offsets = [9], sizes = [1], strides = [1]} : vector<16xi32> to vector<1xi32>
      %squeeze3A_418 = vector.extract %slice3A_417[0] : i32 from vector<1xi32>
      %mul3A_419 = arith.constant 32 : i32
      %mul3A_420 = arith.muli %squeeze3A_418, %mul3A_419 : i32
      %broadcast_in_dim3A_421 = vector.broadcast %add3A_412 : i32 to vector<16xi32>
      %add3A_422 = arith.constant 0 : i32
      %add3A_423 = arith.addi %mul3A_420, %add3A_422 : i32
      %add3A_424 = vector.broadcast %add3A_423 : i32 to vector<16xi32>
      %add3A_425 = arith.addi %add3A_424, %iota3A : vector<16xi32>
      %gather3A_426 = tpu.vector_load_idx %arg12[%broadcast_in_dim3A_421, %add3A_425] : memref<512x128xf32, #tpu.memory_space<vmem>>[vector<16xi32>, vector<16xi32>], vector<16xf32>,
      %swap3A_427 = arith.index_cast %add3A_416 : i32 to index
      %swap3A_428 = arith.constant 32 : index
      %swap3A_429 = tpu.vector_load %arg13[%swap3A_427, %swap3A_428] {strides = array<i32>} : memref<128x128xf32, #tpu.memory_space<vmem>>, vector<16xf32>,
      tpu.vector_store %arg13[%swap3A_427, %swap3A_428], %gather3A_426 {strides = array<i32>} : memref<128x128xf32, #tpu.memory_space<vmem>>, vector<16xf32>,
      %add3A_430 = arith.constant 16 : i32
      %add3A_431 = arith.addi %mul3A_420, %add3A_430 : i32
      %add3A_432 = vector.broadcast %add3A_431 : i32 to vector<16xi32>
      %add3A_433 = arith.addi %add3A_432, %iota3A : vector<16xi32>
      %gather3A_434 = tpu.vector_load_idx %arg12[%broadcast_in_dim3A_421, %add3A_433] : memref<512x128xf32, #tpu.memory_space<vmem>>[vector<16xi32>, vector<16xi32>], vector<16xf32>,
      %swap3A_435 = arith.index_cast %add3A_416 : i32 to index
      %swap3A_436 = arith.constant 48 : index
      %swap3A_437 = tpu.vector_load %arg13[%swap3A_435, %swap3A_436] {strides = array<i32>} : memref<128x128xf32, #tpu.memory_space<vmem>>, vector<16xf32>,
      tpu.vector_store %arg13[%swap3A_435, %swap3A_436], %gather3A_434 {strides = array<i32>} : memref<128x128xf32, #tpu.memory_space<vmem>>, vector<16xf32>,
      %mul3A_438 = arith.constant 16 : i32
      %mul3A_439 = arith.muli %scan3A_149, %mul3A_438 : i32
      %add3A_440 = arith.constant 10 : i32
      %add3A_441 = arith.addi %mul3A_439, %add3A_440 : i32
      %mul3A_442 = arith.constant 4 : i32
      %mul3A_443 = arith.muli %scan3A_149, %mul3A_442 : i32
      %add3A_444 = arith.constant 2 : i32
      %add3A_445 = arith.addi %mul3A_443, %add3A_444 : i32
      %slice3A_446 = vector.extract_strided_slice %get3A_152 {offsets = [10], sizes = [1], strides = [1]} : vector<16xi32> to vector<1xi32>
      %squeeze3A_447 = vector.extract %slice3A_446[0] : i32 from vector<1xi32>
      %mul3A_448 = arith.constant 32 : i32
      %mul3A_449 = arith.muli %squeeze3A_447, %mul3A_448 : i32
      %broadcast_in_dim3A_450 = vector.broadcast %add3A_441 : i32 to vector<16xi32>
      %add3A_451 = arith.constant 0 : i32
      %add3A_452 = arith.addi %mul3A_449, %add3A_451 : i32
      %add3A_453 = vector.broadcast %add3A_452 : i32 to vector<16xi32>
      %add3A_454 = arith.addi %add3A_453, %iota3A : vector<16xi32>
      %gather3A_455 = tpu.vector_load_idx %arg12[%broadcast_in_dim3A_450, %add3A_454] : memref<512x128xf32, #tpu.memory_space<vmem>>[vector<16xi32>, vector<16xi32>], vector<16xf32>,
      %swap3A_456 = arith.index_cast %add3A_445 : i32 to index
      %swap3A_457 = arith.constant 64 : index
      %swap3A_458 = tpu.vector_load %arg13[%swap3A_456, %swap3A_457] {strides = array<i32>} : memref<128x128xf32, #tpu.memory_space<vmem>>, vector<16xf32>,
      tpu.vector_store %arg13[%swap3A_456, %swap3A_457], %gather3A_455 {strides = array<i32>} : memref<128x128xf32, #tpu.memory_space<vmem>>, vector<16xf32>,
      %add3A_459 = arith.constant 16 : i32
      %add3A_460 = arith.addi %mul3A_449, %add3A_459 : i32
      %add3A_461 = vector.broadcast %add3A_460 : i32 to vector<16xi32>
      %add3A_462 = arith.addi %add3A_461, %iota3A : vector<16xi32>
      %gather3A_463 = tpu.vector_load_idx %arg12[%broadcast_in_dim3A_450, %add3A_462] : memref<512x128xf32, #tpu.memory_space<vmem>>[vector<16xi32>, vector<16xi32>], vector<16xf32>,
      %swap3A_464 = arith.index_cast %add3A_445 : i32 to index
      %swap3A_465 = arith.constant 80 : index
      %swap3A_466 = tpu.vector_load %arg13[%swap3A_464, %swap3A_465] {strides = array<i32>} : memref<128x128xf32, #tpu.memory_space<vmem>>, vector<16xf32>,
      tpu.vector_store %arg13[%swap3A_464, %swap3A_465], %gather3A_463 {strides = array<i32>} : memref<128x128xf32, #tpu.memory_space<vmem>>, vector<16xf32>,
      %mul3A_467 = arith.constant 16 : i32
      %mul3A_468 = arith.muli %scan3A_149, %mul3A_467 : i32
      %add3A_469 = arith.constant 11 : i32
      %add3A_470 = arith.addi %mul3A_468, %add3A_469 : i32
      %mul3A_471 = arith.constant 4 : i32
      %mul3A_472 = arith.muli %scan3A_149, %mul3A_471 : i32
      %add3A_473 = arith.constant 2 : i32
      %add3A_474 = arith.addi %mul3A_472, %add3A_473 : i32
      %slice3A_475 = vector.extract_strided_slice %get3A_152 {offsets = [11], sizes = [1], strides = [1]} : vector<16xi32> to vector<1xi32>
      %squeeze3A_476 = vector.extract %slice3A_475[0] : i32 from vector<1xi32>
      %mul3A_477 = arith.constant 32 : i32
      %mul3A_478 = arith.muli %squeeze3A_476, %mul3A_477 : i32
      %broadcast_in_dim3A_479 = vector.broadcast %add3A_470 : i32 to vector<16xi32>
      %add3A_480 = arith.constant 0 : i32
      %add3A_481 = arith.addi %mul3A_478, %add3A_480 : i32
      %add3A_482 = vector.broadcast %add3A_481 : i32 to vector<16xi32>
      %add3A_483 = arith.addi %add3A_482, %iota3A : vector<16xi32>
      %gather3A_484 = tpu.vector_load_idx %arg12[%broadcast_in_dim3A_479, %add3A_483] : memref<512x128xf32, #tpu.memory_space<vmem>>[vector<16xi32>, vector<16xi32>], vector<16xf32>,
      %swap3A_485 = arith.index_cast %add3A_474 : i32 to index
      %swap3A_486 = arith.constant 96 : index
      %swap3A_487 = tpu.vector_load %arg13[%swap3A_485, %swap3A_486] {strides = array<i32>} : memref<128x128xf32, #tpu.memory_space<vmem>>, vector<16xf32>,
      tpu.vector_store %arg13[%swap3A_485, %swap3A_486], %gather3A_484 {strides = array<i32>} : memref<128x128xf32, #tpu.memory_space<vmem>>, vector<16xf32>,
      %add3A_488 = arith.constant 16 : i32
      %add3A_489 = arith.addi %mul3A_478, %add3A_488 : i32
      %add3A_490 = vector.broadcast %add3A_489 : i32 to vector<16xi32>
      %add3A_491 = arith.addi %add3A_490, %iota3A : vector<16xi32>
      %gather3A_492 = tpu.vector_load_idx %arg12[%broadcast_in_dim3A_479, %add3A_491] : memref<512x128xf32, #tpu.memory_space<vmem>>[vector<16xi32>, vector<16xi32>], vector<16xf32>,
      %swap3A_493 = arith.index_cast %add3A_474 : i32 to index
      %swap3A_494 = arith.constant 112 : index
      %swap3A_495 = tpu.vector_load %arg13[%swap3A_493, %swap3A_494] {strides = array<i32>} : memref<128x128xf32, #tpu.memory_space<vmem>>, vector<16xf32>,
      tpu.vector_store %arg13[%swap3A_493, %swap3A_494], %gather3A_492 {strides = array<i32>} : memref<128x128xf32, #tpu.memory_space<vmem>>, vector<16xf32>,
      %mul3A_496 = arith.constant 16 : i32
      %mul3A_497 = arith.muli %scan3A_149, %mul3A_496 : i32
      %add3A_498 = arith.constant 12 : i32
      %add3A_499 = arith.addi %mul3A_497, %add3A_498 : i32
      %mul3A_500 = arith.constant 4 : i32
      %mul3A_501 = arith.muli %scan3A_149, %mul3A_500 : i32
      %add3A_502 = arith.constant 3 : i32
      %add3A_503 = arith.addi %mul3A_501, %add3A_502 : i32
      %slice3A_504 = vector.extract_strided_slice %get3A_152 {offsets = [12], sizes = [1], strides = [1]} : vector<16xi32> to vector<1xi32>
      %squeeze3A_505 = vector.extract %slice3A_504[0] : i32 from vector<1xi32>
      %mul3A_506 = arith.constant 32 : i32
      %mul3A_507 = arith.muli %squeeze3A_505, %mul3A_506 : i32
      %broadcast_in_dim3A_508 = vector.broadcast %add3A_499 : i32 to vector<16xi32>
      %add3A_509 = arith.constant 0 : i32
      %add3A_510 = arith.addi %mul3A_507, %add3A_509 : i32
      %add3A_511 = vector.broadcast %add3A_510 : i32 to vector<16xi32>
      %add3A_512 = arith.addi %add3A_511, %iota3A : vector<16xi32>
      %gather3A_513 = tpu.vector_load_idx %arg12[%broadcast_in_dim3A_508, %add3A_512] : memref<512x128xf32, #tpu.memory_space<vmem>>[vector<16xi32>, vector<16xi32>], vector<16xf32>,
      %swap3A_514 = arith.index_cast %add3A_503 : i32 to index
      %swap3A_515 = arith.constant 0 : index
      %swap3A_516 = tpu.vector_load %arg13[%swap3A_514, %swap3A_515] {strides = array<i32>} : memref<128x128xf32, #tpu.memory_space<vmem>>, vector<16xf32>,
      tpu.vector_store %arg13[%swap3A_514, %swap3A_515], %gather3A_513 {strides = array<i32>} : memref<128x128xf32, #tpu.memory_space<vmem>>, vector<16xf32>,
      %add3A_517 = arith.constant 16 : i32
      %add3A_518 = arith.addi %mul3A_507, %add3A_517 : i32
      %add3A_519 = vector.broadcast %add3A_518 : i32 to vector<16xi32>
      %add3A_520 = arith.addi %add3A_519, %iota3A : vector<16xi32>
      %gather3A_521 = tpu.vector_load_idx %arg12[%broadcast_in_dim3A_508, %add3A_520] : memref<512x128xf32, #tpu.memory_space<vmem>>[vector<16xi32>, vector<16xi32>], vector<16xf32>,
      %swap3A_522 = arith.index_cast %add3A_503 : i32 to index
      %swap3A_523 = arith.constant 16 : index
      %swap3A_524 = tpu.vector_load %arg13[%swap3A_522, %swap3A_523] {strides = array<i32>} : memref<128x128xf32, #tpu.memory_space<vmem>>, vector<16xf32>,
      tpu.vector_store %arg13[%swap3A_522, %swap3A_523], %gather3A_521 {strides = array<i32>} : memref<128x128xf32, #tpu.memory_space<vmem>>, vector<16xf32>,
      %mul3A_525 = arith.constant 16 : i32
      %mul3A_526 = arith.muli %scan3A_149, %mul3A_525 : i32
      %add3A_527 = arith.constant 13 : i32
      %add3A_528 = arith.addi %mul3A_526, %add3A_527 : i32
      %mul3A_529 = arith.constant 4 : i32
      %mul3A_530 = arith.muli %scan3A_149, %mul3A_529 : i32
      %add3A_531 = arith.constant 3 : i32
      %add3A_532 = arith.addi %mul3A_530, %add3A_531 : i32
      %slice3A_533 = vector.extract_strided_slice %get3A_152 {offsets = [13], sizes = [1], strides = [1]} : vector<16xi32> to vector<1xi32>
      %squeeze3A_534 = vector.extract %slice3A_533[0] : i32 from vector<1xi32>
      %mul3A_535 = arith.constant 32 : i32
      %mul3A_536 = arith.muli %squeeze3A_534, %mul3A_535 : i32
      %broadcast_in_dim3A_537 = vector.broadcast %add3A_528 : i32 to vector<16xi32>
      %add3A_538 = arith.constant 0 : i32
      %add3A_539 = arith.addi %mul3A_536, %add3A_538 : i32
      %add3A_540 = vector.broadcast %add3A_539 : i32 to vector<16xi32>
      %add3A_541 = arith.addi %add3A_540, %iota3A : vector<16xi32>
      %gather3A_542 = tpu.vector_load_idx %arg12[%broadcast_in_dim3A_537, %add3A_541] : memref<512x128xf32, #tpu.memory_space<vmem>>[vector<16xi32>, vector<16xi32>], vector<16xf32>,
      %swap3A_543 = arith.index_cast %add3A_532 : i32 to index
      %swap3A_544 = arith.constant 32 : index
      %swap3A_545 = tpu.vector_load %arg13[%swap3A_543, %swap3A_544] {strides = array<i32>} : memref<128x128xf32, #tpu.memory_space<vmem>>, vector<16xf32>,
      tpu.vector_store %arg13[%swap3A_543, %swap3A_544], %gather3A_542 {strides = array<i32>} : memref<128x128xf32, #tpu.memory_space<vmem>>, vector<16xf32>,
      %add3A_546 = arith.constant 16 : i32
      %add3A_547 = arith.addi %mul3A_536, %add3A_546 : i32
      %add3A_548 = vector.broadcast %add3A_547 : i32 to vector<16xi32>
      %add3A_549 = arith.addi %add3A_548, %iota3A : vector<16xi32>
      %gather3A_550 = tpu.vector_load_idx %arg12[%broadcast_in_dim3A_537, %add3A_549] : memref<512x128xf32, #tpu.memory_space<vmem>>[vector<16xi32>, vector<16xi32>], vector<16xf32>,
      %swap3A_551 = arith.index_cast %add3A_532 : i32 to index
      %swap3A_552 = arith.constant 48 : index
      %swap3A_553 = tpu.vector_load %arg13[%swap3A_551, %swap3A_552] {strides = array<i32>} : memref<128x128xf32, #tpu.memory_space<vmem>>, vector<16xf32>,
      tpu.vector_store %arg13[%swap3A_551, %swap3A_552], %gather3A_550 {strides = array<i32>} : memref<128x128xf32, #tpu.memory_space<vmem>>, vector<16xf32>,
      %mul3A_554 = arith.constant 16 : i32
      %mul3A_555 = arith.muli %scan3A_149, %mul3A_554 : i32
      %add3A_556 = arith.constant 14 : i32
      %add3A_557 = arith.addi %mul3A_555, %add3A_556 : i32
      %mul3A_558 = arith.constant 4 : i32
      %mul3A_559 = arith.muli %scan3A_149, %mul3A_558 : i32
      %add3A_560 = arith.constant 3 : i32
      %add3A_561 = arith.addi %mul3A_559, %add3A_560 : i32
      %slice3A_562 = vector.extract_strided_slice %get3A_152 {offsets = [14], sizes = [1], strides = [1]} : vector<16xi32> to vector<1xi32>
      %squeeze3A_563 = vector.extract %slice3A_562[0] : i32 from vector<1xi32>
      %mul3A_564 = arith.constant 32 : i32
      %mul3A_565 = arith.muli %squeeze3A_563, %mul3A_564 : i32
      %broadcast_in_dim3A_566 = vector.broadcast %add3A_557 : i32 to vector<16xi32>
      %add3A_567 = arith.constant 0 : i32
      %add3A_568 = arith.addi %mul3A_565, %add3A_567 : i32
      %add3A_569 = vector.broadcast %add3A_568 : i32 to vector<16xi32>
      %add3A_570 = arith.addi %add3A_569, %iota3A : vector<16xi32>
      %gather3A_571 = tpu.vector_load_idx %arg12[%broadcast_in_dim3A_566, %add3A_570] : memref<512x128xf32, #tpu.memory_space<vmem>>[vector<16xi32>, vector<16xi32>], vector<16xf32>,
      %swap3A_572 = arith.index_cast %add3A_561 : i32 to index
      %swap3A_573 = arith.constant 64 : index
      %swap3A_574 = tpu.vector_load %arg13[%swap3A_572, %swap3A_573] {strides = array<i32>} : memref<128x128xf32, #tpu.memory_space<vmem>>, vector<16xf32>,
      tpu.vector_store %arg13[%swap3A_572, %swap3A_573], %gather3A_571 {strides = array<i32>} : memref<128x128xf32, #tpu.memory_space<vmem>>, vector<16xf32>,
      %add3A_575 = arith.constant 16 : i32
      %add3A_576 = arith.addi %mul3A_565, %add3A_575 : i32
      %add3A_577 = vector.broadcast %add3A_576 : i32 to vector<16xi32>
      %add3A_578 = arith.addi %add3A_577, %iota3A : vector<16xi32>
      %gather3A_579 = tpu.vector_load_idx %arg12[%broadcast_in_dim3A_566, %add3A_578] : memref<512x128xf32, #tpu.memory_space<vmem>>[vector<16xi32>, vector<16xi32>], vector<16xf32>,
      %swap3A_580 = arith.index_cast %add3A_561 : i32 to index
      %swap3A_581 = arith.constant 80 : index
      %swap3A_582 = tpu.vector_load %arg13[%swap3A_580, %swap3A_581] {strides = array<i32>} : memref<128x128xf32, #tpu.memory_space<vmem>>, vector<16xf32>,
      tpu.vector_store %arg13[%swap3A_580, %swap3A_581], %gather3A_579 {strides = array<i32>} : memref<128x128xf32, #tpu.memory_space<vmem>>, vector<16xf32>,
      %mul3A_583 = arith.constant 16 : i32
      %mul3A_584 = arith.muli %scan3A_149, %mul3A_583 : i32
      %add3A_585 = arith.constant 15 : i32
      %add3A_586 = arith.addi %mul3A_584, %add3A_585 : i32
      %mul3A_587 = arith.constant 4 : i32
      %mul3A_588 = arith.muli %scan3A_149, %mul3A_587 : i32
      %add3A_589 = arith.constant 3 : i32
      %add3A_590 = arith.addi %mul3A_588, %add3A_589 : i32
      %slice3A_591 = vector.extract_strided_slice %get3A_152 {offsets = [15], sizes = [1], strides = [1]} : vector<16xi32> to vector<1xi32>
      %squeeze3A_592 = vector.extract %slice3A_591[0] : i32 from vector<1xi32>
      %mul3A_593 = arith.constant 32 : i32
      %mul3A_594 = arith.muli %squeeze3A_592, %mul3A_593 : i32
      %broadcast_in_dim3A_595 = vector.broadcast %add3A_586 : i32 to vector<16xi32>
      %add3A_596 = arith.constant 0 : i32
      %add3A_597 = arith.addi %mul3A_594, %add3A_596 : i32
      %add3A_598 = vector.broadcast %add3A_597 : i32 to vector<16xi32>
      %add3A_599 = arith.addi %add3A_598, %iota3A : vector<16xi32>
      %gather3A_600 = tpu.vector_load_idx %arg12[%broadcast_in_dim3A_595, %add3A_599] : memref<512x128xf32, #tpu.memory_space<vmem>>[vector<16xi32>, vector<16xi32>], vector<16xf32>,
      %swap3A_601 = arith.index_cast %add3A_590 : i32 to index
      %swap3A_602 = arith.constant 96 : index
      %swap3A_603 = tpu.vector_load %arg13[%swap3A_601, %swap3A_602] {strides = array<i32>} : memref<128x128xf32, #tpu.memory_space<vmem>>, vector<16xf32>,
      tpu.vector_store %arg13[%swap3A_601, %swap3A_602], %gather3A_600 {strides = array<i32>} : memref<128x128xf32, #tpu.memory_space<vmem>>, vector<16xf32>,
      %add3A_604 = arith.constant 16 : i32
      %add3A_605 = arith.addi %mul3A_594, %add3A_604 : i32
      %add3A_606 = vector.broadcast %add3A_605 : i32 to vector<16xi32>
      %add3A_607 = arith.addi %add3A_606, %iota3A : vector<16xi32>
      %gather3A_608 = tpu.vector_load_idx %arg12[%broadcast_in_dim3A_595, %add3A_607] : memref<512x128xf32, #tpu.memory_space<vmem>>[vector<16xi32>, vector<16xi32>], vector<16xf32>,
      %swap3A_609 = arith.index_cast %add3A_590 : i32 to index
      %swap3A_610 = arith.constant 112 : index
      %swap3A_611 = tpu.vector_load %arg13[%swap3A_609, %swap3A_610] {strides = array<i32>} : memref<128x128xf32, #tpu.memory_space<vmem>>, vector<16xf32>,
      tpu.vector_store %arg13[%swap3A_609, %swap3A_610], %gather3A_608 {strides = array<i32>} : memref<128x128xf32, #tpu.memory_space<vmem>>, vector<16xf32>,
    }
    %scan3A_73 = arith.constant 32 : i32
    %scan3A_74 = arith.constant 0 : i32
    %scan3A_75 = arith.constant 32 : i32
    %scan3A_76 = arith.addi %scan3A_74, %scan3A_75 : i32
    %scan3A_77 = arith.constant 1 : i32
    scf.for %scan3A_149 = %scan3A_74 to %scan3A_76 step %scan3A_77  : i32 {
      %mul3A_150 = arith.constant 16 : i32
      %mul3A_151 = arith.muli %scan3A_149, %mul3A_150 : i32
      %multiple_of3A = tpu.assume_multiple %mul3A_151, 16 : i32
      %get3A = arith.index_cast %multiple_of3A : i32 to index
      %get3A_152 = tpu.vector_load %arg9[%get3A] {strides = array<i32>} : memref<512xi32, #tpu.memory_space<vmem>>, vector<16xi32>,
      %shift_right_logical3A = arith.constant 14 : i32
      %shift_right_logical3A_153 = vector.broadcast %shift_right_logical3A : i32 to vector<16xi32>
      %shift_right_logical3A_154 = arith.shrui %get3A_152, %shift_right_logical3A_153 : vector<16xi32>
      %shift_left3A = arith.constant 12 : i32
      %shift_left3A_155 = vector.broadcast %shift_left3A : i32 to vector<16xi32>
      %shift_left3A_156 = arith.shli %shift_right_logical3A_154, %shift_left3A_155 : vector<16xi32>
      %and3A = arith.constant 4095 : i32
      %and3A_157 = vector.broadcast %and3A : i32 to vector<16xi32>
      %and3A_158 = arith.andi %get3A_152, %and3A_157 : vector<16xi32>
      %or3A = arith.ori %shift_left3A_156, %and3A_158 : vector<16xi32>
      %swap3A = arith.index_cast %multiple_of3A : i32 to index
      %swap3A_159 = tpu.vector_load %arg10[%swap3A] {strides = array<i32>} : memref<512xi32, #tpu.memory_space<vmem>>, vector<16xi32>,
      tpu.vector_store %arg10[%swap3A], %or3A {strides = array<i32>} : memref<512xi32, #tpu.memory_space<vmem>>, vector<16xi32>,
      %shift_right_logical3A_160 = arith.constant 12 : i32
      %shift_right_logical3A_161 = vector.broadcast %shift_right_logical3A_160 : i32 to vector<16xi32>
      %shift_right_logical3A_162 = arith.shrui %get3A_152, %shift_right_logical3A_161 : vector<16xi32>
      %and3A_163 = arith.constant 3 : i32
      %and3A_164 = vector.broadcast %and3A_163 : i32 to vector<16xi32>
      %and3A_165 = arith.andi %shift_right_logical3A_162, %and3A_164 : vector<16xi32>
      %swap3A_166 = arith.index_cast %multiple_of3A : i32 to index
      %swap3A_167 = tpu.vector_load %arg11[%swap3A_166] {strides = array<i32>} : memref<512xi32, #tpu.memory_space<vmem>>, vector<16xi32>,
      tpu.vector_store %arg11[%swap3A_166], %and3A_165 {strides = array<i32>} : memref<512xi32, #tpu.memory_space<vmem>>, vector<16xi32>,
    }
    %scan3A_78 = arith.constant 32 : i32
    %dma_start3A_79 = arith.constant 0 : i32
    %dma_start3A_80 = arith.constant 0 : i32
    %dma_start3A_81 = tpu.memref_slice %arg12[%dma_start3A_79, %dma_start3A_80] : memref<512x128xf32, #tpu.memory_space<vmem>> -> memref<128x128xf32, #tpu.memory_space<vmem>>
    %dma_start3A_82 = arith.constant 0 : i32
    %dma_start3A_83 = tpu.memref_slice %arg10[%dma_start3A_82] : memref<512xi32, #tpu.memory_space<vmem>> -> memref<128xi32, #tpu.memory_space<vmem>>
    %dma_start3A_84 = arith.constant 0 : i32
    %dma_start3A_85 = arith.constant 0 : i32
    %dma_start3A_86 = tpu.memref_slice %arg3[%dma_start3A_84, %dma_start3A_85] : memref<28672x128xf32, #tpu.memory_space<hbm>> -> memref<28672x128xf32, #tpu.memory_space<hbm>>
    tpu.enqueue_indirect_dma source(%dma_start3A_86 : memref<28672x128xf32, #tpu.memory_space<hbm>>) target(%dma_start3A_81 : memref<128x128xf32, #tpu.memory_space<vmem>>) offsets(%dma_start3A_83 : memref<128xi32, #tpu.memory_space<vmem>>) semaphore(%arg16 : memref<!tpu.dma_semaphore, #tpu.memory_space<semaphore_mem>>)
    %dma_start3A_87 = arith.constant 128 : i32
    %dma_start3A_88 = arith.constant 0 : i32
    %dma_start3A_89 = tpu.memref_slice %arg12[%dma_start3A_87, %dma_start3A_88] : memref<512x128xf32, #tpu.memory_space<vmem>> -> memref<128x128xf32, #tpu.memory_space<vmem>>
    %dma_start3A_90 = arith.constant 128 : i32
    %dma_start3A_91 = tpu.memref_slice %arg10[%dma_start3A_90] : memref<512xi32, #tpu.memory_space<vmem>> -> memref<128xi32, #tpu.memory_space<vmem>>
    %dma_start3A_92 = arith.constant 0 : i32
    %dma_start3A_93 = arith.constant 0 : i32
    %dma_start3A_94 = tpu.memref_slice %arg3[%dma_start3A_92, %dma_start3A_93] : memref<28672x128xf32, #tpu.memory_space<hbm>> -> memref<28672x128xf32, #tpu.memory_space<hbm>>
    tpu.enqueue_indirect_dma source(%dma_start3A_94 : memref<28672x128xf32, #tpu.memory_space<hbm>>) target(%dma_start3A_89 : memref<128x128xf32, #tpu.memory_space<vmem>>) offsets(%dma_start3A_91 : memref<128xi32, #tpu.memory_space<vmem>>) semaphore(%arg16 : memref<!tpu.dma_semaphore, #tpu.memory_space<semaphore_mem>>)
    %dma_start3A_95 = arith.constant 256 : i32
    %dma_start3A_96 = arith.constant 0 : i32
    %dma_start3A_97 = tpu.memref_slice %arg12[%dma_start3A_95, %dma_start3A_96] : memref<512x128xf32, #tpu.memory_space<vmem>> -> memref<128x128xf32, #tpu.memory_space<vmem>>
    %dma_start3A_98 = arith.constant 256 : i32
    %dma_start3A_99 = tpu.memref_slice %arg10[%dma_start3A_98] : memref<512xi32, #tpu.memory_space<vmem>> -> memref<128xi32, #tpu.memory_space<vmem>>
    %dma_start3A_100 = arith.constant 0 : i32
    %dma_start3A_101 = arith.constant 0 : i32
    %dma_start3A_102 = tpu.memref_slice %arg3[%dma_start3A_100, %dma_start3A_101] : memref<28672x128xf32, #tpu.memory_space<hbm>> -> memref<28672x128xf32, #tpu.memory_space<hbm>>
    tpu.enqueue_indirect_dma source(%dma_start3A_102 : memref<28672x128xf32, #tpu.memory_space<hbm>>) target(%dma_start3A_97 : memref<128x128xf32, #tpu.memory_space<vmem>>) offsets(%dma_start3A_99 : memref<128xi32, #tpu.memory_space<vmem>>) semaphore(%arg16 : memref<!tpu.dma_semaphore, #tpu.memory_space<semaphore_mem>>)
    %dma_start3A_103 = arith.constant 384 : i32
    %dma_start3A_104 = arith.constant 0 : i32
    %dma_start3A_105 = tpu.memref_slice %arg12[%dma_start3A_103, %dma_start3A_104] : memref<512x128xf32, #tpu.memory_space<vmem>> -> memref<128x128xf32, #tpu.memory_space<vmem>>
    %dma_start3A_106 = arith.constant 384 : i32
    %dma_start3A_107 = tpu.memref_slice %arg10[%dma_start3A_106] : memref<512xi32, #tpu.memory_space<vmem>> -> memref<128xi32, #tpu.memory_space<vmem>>
    %dma_start3A_108 = arith.constant 0 : i32
    %dma_start3A_109 = arith.constant 0 : i32
    %dma_start3A_110 = tpu.memref_slice %arg3[%dma_start3A_108, %dma_start3A_109] : memref<28672x128xf32, #tpu.memory_space<hbm>> -> memref<28672x128xf32, #tpu.memory_space<hbm>>
    tpu.enqueue_indirect_dma source(%dma_start3A_110 : memref<28672x128xf32, #tpu.memory_space<hbm>>) target(%dma_start3A_105 : memref<128x128xf32, #tpu.memory_space<vmem>>) offsets(%dma_start3A_107 : memref<128xi32, #tpu.memory_space<vmem>>) semaphore(%arg16 : memref<!tpu.dma_semaphore, #tpu.memory_space<semaphore_mem>>)
    %dma_wait3A_111 = arith.constant 0 : i32
    %dma_wait3A_112 = arith.constant 0 : i32
    %dma_wait3A_113 = tpu.memref_slice %arg12[%dma_wait3A_111, %dma_wait3A_112] : memref<512x128xf32, #tpu.memory_space<vmem>> -> memref<128x128xf32, #tpu.memory_space<vmem>>
    %dma_wait3A_114 = arith.constant 0 : i32
    %dma_wait3A_115 = tpu.memref_slice %arg10[%dma_wait3A_114] : memref<512xi32, #tpu.memory_space<vmem>> -> memref<128xi32, #tpu.memory_space<vmem>>
    %dma_wait3A_116 = arith.constant 0 : i32
    %dma_wait3A_117 = arith.constant 0 : i32
    %dma_wait3A_118 = tpu.memref_slice %arg3[%dma_wait3A_116, %dma_wait3A_117] : memref<28672x128xf32, #tpu.memory_space<hbm>> -> memref<28672x128xf32, #tpu.memory_space<hbm>>
    tpu.wait_indirect_dma semaphore(%arg16 : memref<!tpu.dma_semaphore, #tpu.memory_space<semaphore_mem>>) src(%dma_wait3A_118 : memref<28672x128xf32, #tpu.memory_space<hbm>>) dst(%dma_wait3A_113 : memref<128x128xf32, #tpu.memory_space<vmem>>)
    %dma_wait3A_119 = arith.constant 128 : i32
    %dma_wait3A_120 = arith.constant 0 : i32
    %dma_wait3A_121 = tpu.memref_slice %arg12[%dma_wait3A_119, %dma_wait3A_120] : memref<512x128xf32, #tpu.memory_space<vmem>> -> memref<128x128xf32, #tpu.memory_space<vmem>>
    %dma_wait3A_122 = arith.constant 128 : i32
    %dma_wait3A_123 = tpu.memref_slice %arg10[%dma_wait3A_122] : memref<512xi32, #tpu.memory_space<vmem>> -> memref<128xi32, #tpu.memory_space<vmem>>
    %dma_wait3A_124 = arith.constant 0 : i32
    %dma_wait3A_125 = arith.constant 0 : i32
    %dma_wait3A_126 = tpu.memref_slice %arg3[%dma_wait3A_124, %dma_wait3A_125] : memref<28672x128xf32, #tpu.memory_space<hbm>> -> memref<28672x128xf32, #tpu.memory_space<hbm>>
    tpu.wait_indirect_dma semaphore(%arg16 : memref<!tpu.dma_semaphore, #tpu.memory_space<semaphore_mem>>) src(%dma_wait3A_126 : memref<28672x128xf32, #tpu.memory_space<hbm>>) dst(%dma_wait3A_121 : memref<128x128xf32, #tpu.memory_space<vmem>>)
    %dma_wait3A_127 = arith.constant 256 : i32
    %dma_wait3A_128 = arith.constant 0 : i32
    %dma_wait3A_129 = tpu.memref_slice %arg12[%dma_wait3A_127, %dma_wait3A_128] : memref<512x128xf32, #tpu.memory_space<vmem>> -> memref<128x128xf32, #tpu.memory_space<vmem>>
    %dma_wait3A_130 = arith.constant 256 : i32
    %dma_wait3A_131 = tpu.memref_slice %arg10[%dma_wait3A_130] : memref<512xi32, #tpu.memory_space<vmem>> -> memref<128xi32, #tpu.memory_space<vmem>>
    %dma_wait3A_132 = arith.constant 0 : i32
    %dma_wait3A_133 = arith.constant 0 : i32
    %dma_wait3A_134 = tpu.memref_slice %arg3[%dma_wait3A_132, %dma_wait3A_133] : memref<28672x128xf32, #tpu.memory_space<hbm>> -> memref<28672x128xf32, #tpu.memory_space<hbm>>
    tpu.wait_indirect_dma semaphore(%arg16 : memref<!tpu.dma_semaphore, #tpu.memory_space<semaphore_mem>>) src(%dma_wait3A_134 : memref<28672x128xf32, #tpu.memory_space<hbm>>) dst(%dma_wait3A_129 : memref<128x128xf32, #tpu.memory_space<vmem>>)
    %dma_wait3A_135 = arith.constant 384 : i32
    %dma_wait3A_136 = arith.constant 0 : i32
    %dma_wait3A_137 = tpu.memref_slice %arg12[%dma_wait3A_135, %dma_wait3A_136] : memref<512x128xf32, #tpu.memory_space<vmem>> -> memref<128x128xf32, #tpu.memory_space<vmem>>
    %dma_wait3A_138 = arith.constant 384 : i32
    %dma_wait3A_139 = tpu.memref_slice %arg10[%dma_wait3A_138] : memref<512xi32, #tpu.memory_space<vmem>> -> memref<128xi32, #tpu.memory_space<vmem>>
    %dma_wait3A_140 = arith.constant 0 : i32
    %dma_wait3A_141 = arith.constant 0 : i32
    %dma_wait3A_142 = tpu.memref_slice %arg3[%dma_wait3A_140, %dma_wait3A_141] : memref<28672x128xf32, #tpu.memory_space<hbm>> -> memref<28672x128xf32, #tpu.memory_space<hbm>>
    tpu.wait_indirect_dma semaphore(%arg16 : memref<!tpu.dma_semaphore, #tpu.memory_space<semaphore_mem>>) src(%dma_wait3A_142 : memref<28672x128xf32, #tpu.memory_space<hbm>>) dst(%dma_wait3A_137 : memref<128x128xf32, #tpu.memory_space<vmem>>)
    %iota3A_143 = tpu.iota {dimensions = array<i32: 0>} : vector<16xi32>
    %scan3A_144 = arith.constant 0 : i32
    %scan3A_145 = arith.constant 32 : i32
    %scan3A_146 = arith.addi %scan3A_144, %scan3A_145 : i32
    %scan3A_147 = arith.constant 1 : i32
    scf.for %scan3A_149 = %scan3A_144 to %scan3A_146 step %scan3A_147  : i32 {
      %mul3A_150 = arith.constant 16 : i32
      %mul3A_151 = arith.muli %scan3A_149, %mul3A_150 : i32
      %multiple_of3A = tpu.assume_multiple %mul3A_151, 16 : i32
      %get3A = arith.index_cast %multiple_of3A : i32 to index
      %get3A_152 = tpu.vector_load %arg11[%get3A] {strides = array<i32>} : memref<512xi32, #tpu.memory_space<vmem>>, vector<16xi32>,
      %mul3A_153 = arith.constant 16 : i32
      %mul3A_154 = arith.muli %scan3A_149, %mul3A_153 : i32
      %add3A_155 = arith.constant 0 : i32
      %add3A_156 = arith.addi %mul3A_154, %add3A_155 : i32
      %mul3A_157 = arith.constant 4 : i32
      %mul3A_158 = arith.muli %scan3A_149, %mul3A_157 : i32
      %add3A_159 = arith.constant 0 : i32
      %add3A_160 = arith.addi %mul3A_158, %add3A_159 : i32
      %slice3A = vector.extract_strided_slice %get3A_152 {offsets = [0], sizes = [1], strides = [1]} : vector<16xi32> to vector<1xi32>
      %squeeze3A = vector.extract %slice3A[0] : i32 from vector<1xi32>
      %mul3A_161 = arith.constant 32 : i32
      %mul3A_162 = arith.muli %squeeze3A, %mul3A_161 : i32
      %broadcast_in_dim3A = vector.broadcast %add3A_156 : i32 to vector<16xi32>
      %add3A_163 = arith.constant 0 : i32
      %add3A_164 = arith.addi %mul3A_162, %add3A_163 : i32
      %add3A_165 = vector.broadcast %add3A_164 : i32 to vector<16xi32>
      %add3A_166 = arith.addi %add3A_165, %iota3A_143 : vector<16xi32>
      %gather3A = tpu.vector_load_idx %arg12[%broadcast_in_dim3A, %add3A_166] : memref<512x128xf32, #tpu.memory_space<vmem>>[vector<16xi32>, vector<16xi32>], vector<16xf32>,
      %swap3A = arith.index_cast %add3A_160 : i32 to index
      %swap3A_167 = arith.constant 0 : index
      %swap3A_168 = tpu.vector_load %arg14[%swap3A, %swap3A_167] {strides = array<i32>} : memref<128x128xf32, #tpu.memory_space<vmem>>, vector<16xf32>,
      tpu.vector_store %arg14[%swap3A, %swap3A_167], %gather3A {strides = array<i32>} : memref<128x128xf32, #tpu.memory_space<vmem>>, vector<16xf32>,
      %add3A_169 = arith.constant 16 : i32
      %add3A_170 = arith.addi %mul3A_162, %add3A_169 : i32
      %add3A_171 = vector.broadcast %add3A_170 : i32 to vector<16xi32>
      %add3A_172 = arith.addi %add3A_171, %iota3A_143 : vector<16xi32>
      %gather3A_173 = tpu.vector_load_idx %arg12[%broadcast_in_dim3A, %add3A_172] : memref<512x128xf32, #tpu.memory_space<vmem>>[vector<16xi32>, vector<16xi32>], vector<16xf32>,
      %swap3A_174 = arith.index_cast %add3A_160 : i32 to index
      %swap3A_175 = arith.constant 16 : index
      %swap3A_176 = tpu.vector_load %arg14[%swap3A_174, %swap3A_175] {strides = array<i32>} : memref<128x128xf32, #tpu.memory_space<vmem>>, vector<16xf32>,
      tpu.vector_store %arg14[%swap3A_174, %swap3A_175], %gather3A_173 {strides = array<i32>} : memref<128x128xf32, #tpu.memory_space<vmem>>, vector<16xf32>,
      %mul3A_177 = arith.constant 16 : i32
      %mul3A_178 = arith.muli %scan3A_149, %mul3A_177 : i32
      %add3A_179 = arith.constant 1 : i32
      %add3A_180 = arith.addi %mul3A_178, %add3A_179 : i32
      %mul3A_181 = arith.constant 4 : i32
      %mul3A_182 = arith.muli %scan3A_149, %mul3A_181 : i32
      %add3A_183 = arith.constant 0 : i32
      %add3A_184 = arith.addi %mul3A_182, %add3A_183 : i32
      %slice3A_185 = vector.extract_strided_slice %get3A_152 {offsets = [1], sizes = [1], strides = [1]} : vector<16xi32> to vector<1xi32>
      %squeeze3A_186 = vector.extract %slice3A_185[0] : i32 from vector<1xi32>
      %mul3A_187 = arith.constant 32 : i32
      %mul3A_188 = arith.muli %squeeze3A_186, %mul3A_187 : i32
      %broadcast_in_dim3A_189 = vector.broadcast %add3A_180 : i32 to vector<16xi32>
      %add3A_190 = arith.constant 0 : i32
      %add3A_191 = arith.addi %mul3A_188, %add3A_190 : i32
      %add3A_192 = vector.broadcast %add3A_191 : i32 to vector<16xi32>
      %add3A_193 = arith.addi %add3A_192, %iota3A_143 : vector<16xi32>
      %gather3A_194 = tpu.vector_load_idx %arg12[%broadcast_in_dim3A_189, %add3A_193] : memref<512x128xf32, #tpu.memory_space<vmem>>[vector<16xi32>, vector<16xi32>], vector<16xf32>,
      %swap3A_195 = arith.index_cast %add3A_184 : i32 to index
      %swap3A_196 = arith.constant 32 : index
      %swap3A_197 = tpu.vector_load %arg14[%swap3A_195, %swap3A_196] {strides = array<i32>} : memref<128x128xf32, #tpu.memory_space<vmem>>, vector<16xf32>,
      tpu.vector_store %arg14[%swap3A_195, %swap3A_196], %gather3A_194 {strides = array<i32>} : memref<128x128xf32, #tpu.memory_space<vmem>>, vector<16xf32>,
      %add3A_198 = arith.constant 16 : i32
      %add3A_199 = arith.addi %mul3A_188, %add3A_198 : i32
      %add3A_200 = vector.broadcast %add3A_199 : i32 to vector<16xi32>
      %add3A_201 = arith.addi %add3A_200, %iota3A_143 : vector<16xi32>
      %gather3A_202 = tpu.vector_load_idx %arg12[%broadcast_in_dim3A_189, %add3A_201] : memref<512x128xf32, #tpu.memory_space<vmem>>[vector<16xi32>, vector<16xi32>], vector<16xf32>,
      %swap3A_203 = arith.index_cast %add3A_184 : i32 to index
      %swap3A_204 = arith.constant 48 : index
      %swap3A_205 = tpu.vector_load %arg14[%swap3A_203, %swap3A_204] {strides = array<i32>} : memref<128x128xf32, #tpu.memory_space<vmem>>, vector<16xf32>,
      tpu.vector_store %arg14[%swap3A_203, %swap3A_204], %gather3A_202 {strides = array<i32>} : memref<128x128xf32, #tpu.memory_space<vmem>>, vector<16xf32>,
      %mul3A_206 = arith.constant 16 : i32
      %mul3A_207 = arith.muli %scan3A_149, %mul3A_206 : i32
      %add3A_208 = arith.constant 2 : i32
      %add3A_209 = arith.addi %mul3A_207, %add3A_208 : i32
      %mul3A_210 = arith.constant 4 : i32
      %mul3A_211 = arith.muli %scan3A_149, %mul3A_210 : i32
      %add3A_212 = arith.constant 0 : i32
      %add3A_213 = arith.addi %mul3A_211, %add3A_212 : i32
      %slice3A_214 = vector.extract_strided_slice %get3A_152 {offsets = [2], sizes = [1], strides = [1]} : vector<16xi32> to vector<1xi32>
      %squeeze3A_215 = vector.extract %slice3A_214[0] : i32 from vector<1xi32>
      %mul3A_216 = arith.constant 32 : i32
      %mul3A_217 = arith.muli %squeeze3A_215, %mul3A_216 : i32
      %broadcast_in_dim3A_218 = vector.broadcast %add3A_209 : i32 to vector<16xi32>
      %add3A_219 = arith.constant 0 : i32
      %add3A_220 = arith.addi %mul3A_217, %add3A_219 : i32
      %add3A_221 = vector.broadcast %add3A_220 : i32 to vector<16xi32>
      %add3A_222 = arith.addi %add3A_221, %iota3A_143 : vector<16xi32>
      %gather3A_223 = tpu.vector_load_idx %arg12[%broadcast_in_dim3A_218, %add3A_222] : memref<512x128xf32, #tpu.memory_space<vmem>>[vector<16xi32>, vector<16xi32>], vector<16xf32>,
      %swap3A_224 = arith.index_cast %add3A_213 : i32 to index
      %swap3A_225 = arith.constant 64 : index
      %swap3A_226 = tpu.vector_load %arg14[%swap3A_224, %swap3A_225] {strides = array<i32>} : memref<128x128xf32, #tpu.memory_space<vmem>>, vector<16xf32>,
      tpu.vector_store %arg14[%swap3A_224, %swap3A_225], %gather3A_223 {strides = array<i32>} : memref<128x128xf32, #tpu.memory_space<vmem>>, vector<16xf32>,
      %add3A_227 = arith.constant 16 : i32
      %add3A_228 = arith.addi %mul3A_217, %add3A_227 : i32
      %add3A_229 = vector.broadcast %add3A_228 : i32 to vector<16xi32>
      %add3A_230 = arith.addi %add3A_229, %iota3A_143 : vector<16xi32>
      %gather3A_231 = tpu.vector_load_idx %arg12[%broadcast_in_dim3A_218, %add3A_230] : memref<512x128xf32, #tpu.memory_space<vmem>>[vector<16xi32>, vector<16xi32>], vector<16xf32>,
      %swap3A_232 = arith.index_cast %add3A_213 : i32 to index
      %swap3A_233 = arith.constant 80 : index
      %swap3A_234 = tpu.vector_load %arg14[%swap3A_232, %swap3A_233] {strides = array<i32>} : memref<128x128xf32, #tpu.memory_space<vmem>>, vector<16xf32>,
      tpu.vector_store %arg14[%swap3A_232, %swap3A_233], %gather3A_231 {strides = array<i32>} : memref<128x128xf32, #tpu.memory_space<vmem>>, vector<16xf32>,
      %mul3A_235 = arith.constant 16 : i32
      %mul3A_236 = arith.muli %scan3A_149, %mul3A_235 : i32
      %add3A_237 = arith.constant 3 : i32
      %add3A_238 = arith.addi %mul3A_236, %add3A_237 : i32
      %mul3A_239 = arith.constant 4 : i32
      %mul3A_240 = arith.muli %scan3A_149, %mul3A_239 : i32
      %add3A_241 = arith.constant 0 : i32
      %add3A_242 = arith.addi %mul3A_240, %add3A_241 : i32
      %slice3A_243 = vector.extract_strided_slice %get3A_152 {offsets = [3], sizes = [1], strides = [1]} : vector<16xi32> to vector<1xi32>
      %squeeze3A_244 = vector.extract %slice3A_243[0] : i32 from vector<1xi32>
      %mul3A_245 = arith.constant 32 : i32
      %mul3A_246 = arith.muli %squeeze3A_244, %mul3A_245 : i32
      %broadcast_in_dim3A_247 = vector.broadcast %add3A_238 : i32 to vector<16xi32>
      %add3A_248 = arith.constant 0 : i32
      %add3A_249 = arith.addi %mul3A_246, %add3A_248 : i32
      %add3A_250 = vector.broadcast %add3A_249 : i32 to vector<16xi32>
      %add3A_251 = arith.addi %add3A_250, %iota3A_143 : vector<16xi32>
      %gather3A_252 = tpu.vector_load_idx %arg12[%broadcast_in_dim3A_247, %add3A_251] : memref<512x128xf32, #tpu.memory_space<vmem>>[vector<16xi32>, vector<16xi32>], vector<16xf32>,
      %swap3A_253 = arith.index_cast %add3A_242 : i32 to index
      %swap3A_254 = arith.constant 96 : index
      %swap3A_255 = tpu.vector_load %arg14[%swap3A_253, %swap3A_254] {strides = array<i32>} : memref<128x128xf32, #tpu.memory_space<vmem>>, vector<16xf32>,
      tpu.vector_store %arg14[%swap3A_253, %swap3A_254], %gather3A_252 {strides = array<i32>} : memref<128x128xf32, #tpu.memory_space<vmem>>, vector<16xf32>,
      %add3A_256 = arith.constant 16 : i32
      %add3A_257 = arith.addi %mul3A_246, %add3A_256 : i32
      %add3A_258 = vector.broadcast %add3A_257 : i32 to vector<16xi32>
      %add3A_259 = arith.addi %add3A_258, %iota3A_143 : vector<16xi32>
      %gather3A_260 = tpu.vector_load_idx %arg12[%broadcast_in_dim3A_247, %add3A_259] : memref<512x128xf32, #tpu.memory_space<vmem>>[vector<16xi32>, vector<16xi32>], vector<16xf32>,
      %swap3A_261 = arith.index_cast %add3A_242 : i32 to index
      %swap3A_262 = arith.constant 112 : index
      %swap3A_263 = tpu.vector_load %arg14[%swap3A_261, %swap3A_262] {strides = array<i32>} : memref<128x128xf32, #tpu.memory_space<vmem>>, vector<16xf32>,
      tpu.vector_store %arg14[%swap3A_261, %swap3A_262], %gather3A_260 {strides = array<i32>} : memref<128x128xf32, #tpu.memory_space<vmem>>, vector<16xf32>,
      %mul3A_264 = arith.constant 16 : i32
      %mul3A_265 = arith.muli %scan3A_149, %mul3A_264 : i32
      %add3A_266 = arith.constant 4 : i32
      %add3A_267 = arith.addi %mul3A_265, %add3A_266 : i32
      %mul3A_268 = arith.constant 4 : i32
      %mul3A_269 = arith.muli %scan3A_149, %mul3A_268 : i32
      %add3A_270 = arith.constant 1 : i32
      %add3A_271 = arith.addi %mul3A_269, %add3A_270 : i32
      %slice3A_272 = vector.extract_strided_slice %get3A_152 {offsets = [4], sizes = [1], strides = [1]} : vector<16xi32> to vector<1xi32>
      %squeeze3A_273 = vector.extract %slice3A_272[0] : i32 from vector<1xi32>
      %mul3A_274 = arith.constant 32 : i32
      %mul3A_275 = arith.muli %squeeze3A_273, %mul3A_274 : i32
      %broadcast_in_dim3A_276 = vector.broadcast %add3A_267 : i32 to vector<16xi32>
      %add3A_277 = arith.constant 0 : i32
      %add3A_278 = arith.addi %mul3A_275, %add3A_277 : i32
      %add3A_279 = vector.broadcast %add3A_278 : i32 to vector<16xi32>
      %add3A_280 = arith.addi %add3A_279, %iota3A_143 : vector<16xi32>
      %gather3A_281 = tpu.vector_load_idx %arg12[%broadcast_in_dim3A_276, %add3A_280] : memref<512x128xf32, #tpu.memory_space<vmem>>[vector<16xi32>, vector<16xi32>], vector<16xf32>,
      %swap3A_282 = arith.index_cast %add3A_271 : i32 to index
      %swap3A_283 = arith.constant 0 : index
      %swap3A_284 = tpu.vector_load %arg14[%swap3A_282, %swap3A_283] {strides = array<i32>} : memref<128x128xf32, #tpu.memory_space<vmem>>, vector<16xf32>,
      tpu.vector_store %arg14[%swap3A_282, %swap3A_283], %gather3A_281 {strides = array<i32>} : memref<128x128xf32, #tpu.memory_space<vmem>>, vector<16xf32>,
      %add3A_285 = arith.constant 16 : i32
      %add3A_286 = arith.addi %mul3A_275, %add3A_285 : i32
      %add3A_287 = vector.broadcast %add3A_286 : i32 to vector<16xi32>
      %add3A_288 = arith.addi %add3A_287, %iota3A_143 : vector<16xi32>
      %gather3A_289 = tpu.vector_load_idx %arg12[%broadcast_in_dim3A_276, %add3A_288] : memref<512x128xf32, #tpu.memory_space<vmem>>[vector<16xi32>, vector<16xi32>], vector<16xf32>,
      %swap3A_290 = arith.index_cast %add3A_271 : i32 to index
      %swap3A_291 = arith.constant 16 : index
      %swap3A_292 = tpu.vector_load %arg14[%swap3A_290, %swap3A_291] {strides = array<i32>} : memref<128x128xf32, #tpu.memory_space<vmem>>, vector<16xf32>,
      tpu.vector_store %arg14[%swap3A_290, %swap3A_291], %gather3A_289 {strides = array<i32>} : memref<128x128xf32, #tpu.memory_space<vmem>>, vector<16xf32>,
      %mul3A_293 = arith.constant 16 : i32
      %mul3A_294 = arith.muli %scan3A_149, %mul3A_293 : i32
      %add3A_295 = arith.constant 5 : i32
      %add3A_296 = arith.addi %mul3A_294, %add3A_295 : i32
      %mul3A_297 = arith.constant 4 : i32
      %mul3A_298 = arith.muli %scan3A_149, %mul3A_297 : i32
      %add3A_299 = arith.constant 1 : i32
      %add3A_300 = arith.addi %mul3A_298, %add3A_299 : i32
      %slice3A_301 = vector.extract_strided_slice %get3A_152 {offsets = [5], sizes = [1], strides = [1]} : vector<16xi32> to vector<1xi32>
      %squeeze3A_302 = vector.extract %slice3A_301[0] : i32 from vector<1xi32>
      %mul3A_303 = arith.constant 32 : i32
      %mul3A_304 = arith.muli %squeeze3A_302, %mul3A_303 : i32
      %broadcast_in_dim3A_305 = vector.broadcast %add3A_296 : i32 to vector<16xi32>
      %add3A_306 = arith.constant 0 : i32
      %add3A_307 = arith.addi %mul3A_304, %add3A_306 : i32
      %add3A_308 = vector.broadcast %add3A_307 : i32 to vector<16xi32>
      %add3A_309 = arith.addi %add3A_308, %iota3A_143 : vector<16xi32>
      %gather3A_310 = tpu.vector_load_idx %arg12[%broadcast_in_dim3A_305, %add3A_309] : memref<512x128xf32, #tpu.memory_space<vmem>>[vector<16xi32>, vector<16xi32>], vector<16xf32>,
      %swap3A_311 = arith.index_cast %add3A_300 : i32 to index
      %swap3A_312 = arith.constant 32 : index
      %swap3A_313 = tpu.vector_load %arg14[%swap3A_311, %swap3A_312] {strides = array<i32>} : memref<128x128xf32, #tpu.memory_space<vmem>>, vector<16xf32>,
      tpu.vector_store %arg14[%swap3A_311, %swap3A_312], %gather3A_310 {strides = array<i32>} : memref<128x128xf32, #tpu.memory_space<vmem>>, vector<16xf32>,
      %add3A_314 = arith.constant 16 : i32
      %add3A_315 = arith.addi %mul3A_304, %add3A_314 : i32
      %add3A_316 = vector.broadcast %add3A_315 : i32 to vector<16xi32>
      %add3A_317 = arith.addi %add3A_316, %iota3A_143 : vector<16xi32>
      %gather3A_318 = tpu.vector_load_idx %arg12[%broadcast_in_dim3A_305, %add3A_317] : memref<512x128xf32, #tpu.memory_space<vmem>>[vector<16xi32>, vector<16xi32>], vector<16xf32>,
      %swap3A_319 = arith.index_cast %add3A_300 : i32 to index
      %swap3A_320 = arith.constant 48 : index
      %swap3A_321 = tpu.vector_load %arg14[%swap3A_319, %swap3A_320] {strides = array<i32>} : memref<128x128xf32, #tpu.memory_space<vmem>>, vector<16xf32>,
      tpu.vector_store %arg14[%swap3A_319, %swap3A_320], %gather3A_318 {strides = array<i32>} : memref<128x128xf32, #tpu.memory_space<vmem>>, vector<16xf32>,
      %mul3A_322 = arith.constant 16 : i32
      %mul3A_323 = arith.muli %scan3A_149, %mul3A_322 : i32
      %add3A_324 = arith.constant 6 : i32
      %add3A_325 = arith.addi %mul3A_323, %add3A_324 : i32
      %mul3A_326 = arith.constant 4 : i32
      %mul3A_327 = arith.muli %scan3A_149, %mul3A_326 : i32
      %add3A_328 = arith.constant 1 : i32
      %add3A_329 = arith.addi %mul3A_327, %add3A_328 : i32
      %slice3A_330 = vector.extract_strided_slice %get3A_152 {offsets = [6], sizes = [1], strides = [1]} : vector<16xi32> to vector<1xi32>
      %squeeze3A_331 = vector.extract %slice3A_330[0] : i32 from vector<1xi32>
      %mul3A_332 = arith.constant 32 : i32
      %mul3A_333 = arith.muli %squeeze3A_331, %mul3A_332 : i32
      %broadcast_in_dim3A_334 = vector.broadcast %add3A_325 : i32 to vector<16xi32>
      %add3A_335 = arith.constant 0 : i32
      %add3A_336 = arith.addi %mul3A_333, %add3A_335 : i32
      %add3A_337 = vector.broadcast %add3A_336 : i32 to vector<16xi32>
      %add3A_338 = arith.addi %add3A_337, %iota3A_143 : vector<16xi32>
      %gather3A_339 = tpu.vector_load_idx %arg12[%broadcast_in_dim3A_334, %add3A_338] : memref<512x128xf32, #tpu.memory_space<vmem>>[vector<16xi32>, vector<16xi32>], vector<16xf32>,
      %swap3A_340 = arith.index_cast %add3A_329 : i32 to index
      %swap3A_341 = arith.constant 64 : index
      %swap3A_342 = tpu.vector_load %arg14[%swap3A_340, %swap3A_341] {strides = array<i32>} : memref<128x128xf32, #tpu.memory_space<vmem>>, vector<16xf32>,
      tpu.vector_store %arg14[%swap3A_340, %swap3A_341], %gather3A_339 {strides = array<i32>} : memref<128x128xf32, #tpu.memory_space<vmem>>, vector<16xf32>,
      %add3A_343 = arith.constant 16 : i32
      %add3A_344 = arith.addi %mul3A_333, %add3A_343 : i32
      %add3A_345 = vector.broadcast %add3A_344 : i32 to vector<16xi32>
      %add3A_346 = arith.addi %add3A_345, %iota3A_143 : vector<16xi32>
      %gather3A_347 = tpu.vector_load_idx %arg12[%broadcast_in_dim3A_334, %add3A_346] : memref<512x128xf32, #tpu.memory_space<vmem>>[vector<16xi32>, vector<16xi32>], vector<16xf32>,
      %swap3A_348 = arith.index_cast %add3A_329 : i32 to index
      %swap3A_349 = arith.constant 80 : index
      %swap3A_350 = tpu.vector_load %arg14[%swap3A_348, %swap3A_349] {strides = array<i32>} : memref<128x128xf32, #tpu.memory_space<vmem>>, vector<16xf32>,
      tpu.vector_store %arg14[%swap3A_348, %swap3A_349], %gather3A_347 {strides = array<i32>} : memref<128x128xf32, #tpu.memory_space<vmem>>, vector<16xf32>,
      %mul3A_351 = arith.constant 16 : i32
      %mul3A_352 = arith.muli %scan3A_149, %mul3A_351 : i32
      %add3A_353 = arith.constant 7 : i32
      %add3A_354 = arith.addi %mul3A_352, %add3A_353 : i32
      %mul3A_355 = arith.constant 4 : i32
      %mul3A_356 = arith.muli %scan3A_149, %mul3A_355 : i32
      %add3A_357 = arith.constant 1 : i32
      %add3A_358 = arith.addi %mul3A_356, %add3A_357 : i32
      %slice3A_359 = vector.extract_strided_slice %get3A_152 {offsets = [7], sizes = [1], strides = [1]} : vector<16xi32> to vector<1xi32>
      %squeeze3A_360 = vector.extract %slice3A_359[0] : i32 from vector<1xi32>
      %mul3A_361 = arith.constant 32 : i32
      %mul3A_362 = arith.muli %squeeze3A_360, %mul3A_361 : i32
      %broadcast_in_dim3A_363 = vector.broadcast %add3A_354 : i32 to vector<16xi32>
      %add3A_364 = arith.constant 0 : i32
      %add3A_365 = arith.addi %mul3A_362, %add3A_364 : i32
      %add3A_366 = vector.broadcast %add3A_365 : i32 to vector<16xi32>
      %add3A_367 = arith.addi %add3A_366, %iota3A_143 : vector<16xi32>
      %gather3A_368 = tpu.vector_load_idx %arg12[%broadcast_in_dim3A_363, %add3A_367] : memref<512x128xf32, #tpu.memory_space<vmem>>[vector<16xi32>, vector<16xi32>], vector<16xf32>,
      %swap3A_369 = arith.index_cast %add3A_358 : i32 to index
      %swap3A_370 = arith.constant 96 : index
      %swap3A_371 = tpu.vector_load %arg14[%swap3A_369, %swap3A_370] {strides = array<i32>} : memref<128x128xf32, #tpu.memory_space<vmem>>, vector<16xf32>,
      tpu.vector_store %arg14[%swap3A_369, %swap3A_370], %gather3A_368 {strides = array<i32>} : memref<128x128xf32, #tpu.memory_space<vmem>>, vector<16xf32>,
      %add3A_372 = arith.constant 16 : i32
      %add3A_373 = arith.addi %mul3A_362, %add3A_372 : i32
      %add3A_374 = vector.broadcast %add3A_373 : i32 to vector<16xi32>
      %add3A_375 = arith.addi %add3A_374, %iota3A_143 : vector<16xi32>
      %gather3A_376 = tpu.vector_load_idx %arg12[%broadcast_in_dim3A_363, %add3A_375] : memref<512x128xf32, #tpu.memory_space<vmem>>[vector<16xi32>, vector<16xi32>], vector<16xf32>,
      %swap3A_377 = arith.index_cast %add3A_358 : i32 to index
      %swap3A_378 = arith.constant 112 : index
      %swap3A_379 = tpu.vector_load %arg14[%swap3A_377, %swap3A_378] {strides = array<i32>} : memref<128x128xf32, #tpu.memory_space<vmem>>, vector<16xf32>,
      tpu.vector_store %arg14[%swap3A_377, %swap3A_378], %gather3A_376 {strides = array<i32>} : memref<128x128xf32, #tpu.memory_space<vmem>>, vector<16xf32>,
      %mul3A_380 = arith.constant 16 : i32
      %mul3A_381 = arith.muli %scan3A_149, %mul3A_380 : i32
      %add3A_382 = arith.constant 8 : i32
      %add3A_383 = arith.addi %mul3A_381, %add3A_382 : i32
      %mul3A_384 = arith.constant 4 : i32
      %mul3A_385 = arith.muli %scan3A_149, %mul3A_384 : i32
      %add3A_386 = arith.constant 2 : i32
      %add3A_387 = arith.addi %mul3A_385, %add3A_386 : i32
      %slice3A_388 = vector.extract_strided_slice %get3A_152 {offsets = [8], sizes = [1], strides = [1]} : vector<16xi32> to vector<1xi32>
      %squeeze3A_389 = vector.extract %slice3A_388[0] : i32 from vector<1xi32>
      %mul3A_390 = arith.constant 32 : i32
      %mul3A_391 = arith.muli %squeeze3A_389, %mul3A_390 : i32
      %broadcast_in_dim3A_392 = vector.broadcast %add3A_383 : i32 to vector<16xi32>
      %add3A_393 = arith.constant 0 : i32
      %add3A_394 = arith.addi %mul3A_391, %add3A_393 : i32
      %add3A_395 = vector.broadcast %add3A_394 : i32 to vector<16xi32>
      %add3A_396 = arith.addi %add3A_395, %iota3A_143 : vector<16xi32>
      %gather3A_397 = tpu.vector_load_idx %arg12[%broadcast_in_dim3A_392, %add3A_396] : memref<512x128xf32, #tpu.memory_space<vmem>>[vector<16xi32>, vector<16xi32>], vector<16xf32>,
      %swap3A_398 = arith.index_cast %add3A_387 : i32 to index
      %swap3A_399 = arith.constant 0 : index
      %swap3A_400 = tpu.vector_load %arg14[%swap3A_398, %swap3A_399] {strides = array<i32>} : memref<128x128xf32, #tpu.memory_space<vmem>>, vector<16xf32>,
      tpu.vector_store %arg14[%swap3A_398, %swap3A_399], %gather3A_397 {strides = array<i32>} : memref<128x128xf32, #tpu.memory_space<vmem>>, vector<16xf32>,
      %add3A_401 = arith.constant 16 : i32
      %add3A_402 = arith.addi %mul3A_391, %add3A_401 : i32
      %add3A_403 = vector.broadcast %add3A_402 : i32 to vector<16xi32>
      %add3A_404 = arith.addi %add3A_403, %iota3A_143 : vector<16xi32>
      %gather3A_405 = tpu.vector_load_idx %arg12[%broadcast_in_dim3A_392, %add3A_404] : memref<512x128xf32, #tpu.memory_space<vmem>>[vector<16xi32>, vector<16xi32>], vector<16xf32>,
      %swap3A_406 = arith.index_cast %add3A_387 : i32 to index
      %swap3A_407 = arith.constant 16 : index
      %swap3A_408 = tpu.vector_load %arg14[%swap3A_406, %swap3A_407] {strides = array<i32>} : memref<128x128xf32, #tpu.memory_space<vmem>>, vector<16xf32>,
      tpu.vector_store %arg14[%swap3A_406, %swap3A_407], %gather3A_405 {strides = array<i32>} : memref<128x128xf32, #tpu.memory_space<vmem>>, vector<16xf32>,
      %mul3A_409 = arith.constant 16 : i32
      %mul3A_410 = arith.muli %scan3A_149, %mul3A_409 : i32
      %add3A_411 = arith.constant 9 : i32
      %add3A_412 = arith.addi %mul3A_410, %add3A_411 : i32
      %mul3A_413 = arith.constant 4 : i32
      %mul3A_414 = arith.muli %scan3A_149, %mul3A_413 : i32
      %add3A_415 = arith.constant 2 : i32
      %add3A_416 = arith.addi %mul3A_414, %add3A_415 : i32
      %slice3A_417 = vector.extract_strided_slice %get3A_152 {offsets = [9], sizes = [1], strides = [1]} : vector<16xi32> to vector<1xi32>
      %squeeze3A_418 = vector.extract %slice3A_417[0] : i32 from vector<1xi32>
      %mul3A_419 = arith.constant 32 : i32
      %mul3A_420 = arith.muli %squeeze3A_418, %mul3A_419 : i32
      %broadcast_in_dim3A_421 = vector.broadcast %add3A_412 : i32 to vector<16xi32>
      %add3A_422 = arith.constant 0 : i32
      %add3A_423 = arith.addi %mul3A_420, %add3A_422 : i32
      %add3A_424 = vector.broadcast %add3A_423 : i32 to vector<16xi32>
      %add3A_425 = arith.addi %add3A_424, %iota3A_143 : vector<16xi32>
      %gather3A_426 = tpu.vector_load_idx %arg12[%broadcast_in_dim3A_421, %add3A_425] : memref<512x128xf32, #tpu.memory_space<vmem>>[vector<16xi32>, vector<16xi32>], vector<16xf32>,
      %swap3A_427 = arith.index_cast %add3A_416 : i32 to index
      %swap3A_428 = arith.constant 32 : index
      %swap3A_429 = tpu.vector_load %arg14[%swap3A_427, %swap3A_428] {strides = array<i32>} : memref<128x128xf32, #tpu.memory_space<vmem>>, vector<16xf32>,
      tpu.vector_store %arg14[%swap3A_427, %swap3A_428], %gather3A_426 {strides = array<i32>} : memref<128x128xf32, #tpu.memory_space<vmem>>, vector<16xf32>,
      %add3A_430 = arith.constant 16 : i32
      %add3A_431 = arith.addi %mul3A_420, %add3A_430 : i32
      %add3A_432 = vector.broadcast %add3A_431 : i32 to vector<16xi32>
      %add3A_433 = arith.addi %add3A_432, %iota3A_143 : vector<16xi32>
      %gather3A_434 = tpu.vector_load_idx %arg12[%broadcast_in_dim3A_421, %add3A_433] : memref<512x128xf32, #tpu.memory_space<vmem>>[vector<16xi32>, vector<16xi32>], vector<16xf32>,
      %swap3A_435 = arith.index_cast %add3A_416 : i32 to index
      %swap3A_436 = arith.constant 48 : index
      %swap3A_437 = tpu.vector_load %arg14[%swap3A_435, %swap3A_436] {strides = array<i32>} : memref<128x128xf32, #tpu.memory_space<vmem>>, vector<16xf32>,
      tpu.vector_store %arg14[%swap3A_435, %swap3A_436], %gather3A_434 {strides = array<i32>} : memref<128x128xf32, #tpu.memory_space<vmem>>, vector<16xf32>,
      %mul3A_438 = arith.constant 16 : i32
      %mul3A_439 = arith.muli %scan3A_149, %mul3A_438 : i32
      %add3A_440 = arith.constant 10 : i32
      %add3A_441 = arith.addi %mul3A_439, %add3A_440 : i32
      %mul3A_442 = arith.constant 4 : i32
      %mul3A_443 = arith.muli %scan3A_149, %mul3A_442 : i32
      %add3A_444 = arith.constant 2 : i32
      %add3A_445 = arith.addi %mul3A_443, %add3A_444 : i32
      %slice3A_446 = vector.extract_strided_slice %get3A_152 {offsets = [10], sizes = [1], strides = [1]} : vector<16xi32> to vector<1xi32>
      %squeeze3A_447 = vector.extract %slice3A_446[0] : i32 from vector<1xi32>
      %mul3A_448 = arith.constant 32 : i32
      %mul3A_449 = arith.muli %squeeze3A_447, %mul3A_448 : i32
      %broadcast_in_dim3A_450 = vector.broadcast %add3A_441 : i32 to vector<16xi32>
      %add3A_451 = arith.constant 0 : i32
      %add3A_452 = arith.addi %mul3A_449, %add3A_451 : i32
      %add3A_453 = vector.broadcast %add3A_452 : i32 to vector<16xi32>
      %add3A_454 = arith.addi %add3A_453, %iota3A_143 : vector<16xi32>
      %gather3A_455 = tpu.vector_load_idx %arg12[%broadcast_in_dim3A_450, %add3A_454] : memref<512x128xf32, #tpu.memory_space<vmem>>[vector<16xi32>, vector<16xi32>], vector<16xf32>,
      %swap3A_456 = arith.index_cast %add3A_445 : i32 to index
      %swap3A_457 = arith.constant 64 : index
      %swap3A_458 = tpu.vector_load %arg14[%swap3A_456, %swap3A_457] {strides = array<i32>} : memref<128x128xf32, #tpu.memory_space<vmem>>, vector<16xf32>,
      tpu.vector_store %arg14[%swap3A_456, %swap3A_457], %gather3A_455 {strides = array<i32>} : memref<128x128xf32, #tpu.memory_space<vmem>>, vector<16xf32>,
      %add3A_459 = arith.constant 16 : i32
      %add3A_460 = arith.addi %mul3A_449, %add3A_459 : i32
      %add3A_461 = vector.broadcast %add3A_460 : i32 to vector<16xi32>
      %add3A_462 = arith.addi %add3A_461, %iota3A_143 : vector<16xi32>
      %gather3A_463 = tpu.vector_load_idx %arg12[%broadcast_in_dim3A_450, %add3A_462] : memref<512x128xf32, #tpu.memory_space<vmem>>[vector<16xi32>, vector<16xi32>], vector<16xf32>,
      %swap3A_464 = arith.index_cast %add3A_445 : i32 to index
      %swap3A_465 = arith.constant 80 : index
      %swap3A_466 = tpu.vector_load %arg14[%swap3A_464, %swap3A_465] {strides = array<i32>} : memref<128x128xf32, #tpu.memory_space<vmem>>, vector<16xf32>,
      tpu.vector_store %arg14[%swap3A_464, %swap3A_465], %gather3A_463 {strides = array<i32>} : memref<128x128xf32, #tpu.memory_space<vmem>>, vector<16xf32>,
      %mul3A_467 = arith.constant 16 : i32
      %mul3A_468 = arith.muli %scan3A_149, %mul3A_467 : i32
      %add3A_469 = arith.constant 11 : i32
      %add3A_470 = arith.addi %mul3A_468, %add3A_469 : i32
      %mul3A_471 = arith.constant 4 : i32
      %mul3A_472 = arith.muli %scan3A_149, %mul3A_471 : i32
      %add3A_473 = arith.constant 2 : i32
      %add3A_474 = arith.addi %mul3A_472, %add3A_473 : i32
      %slice3A_475 = vector.extract_strided_slice %get3A_152 {offsets = [11], sizes = [1], strides = [1]} : vector<16xi32> to vector<1xi32>
      %squeeze3A_476 = vector.extract %slice3A_475[0] : i32 from vector<1xi32>
      %mul3A_477 = arith.constant 32 : i32
      %mul3A_478 = arith.muli %squeeze3A_476, %mul3A_477 : i32
      %broadcast_in_dim3A_479 = vector.broadcast %add3A_470 : i32 to vector<16xi32>
      %add3A_480 = arith.constant 0 : i32
      %add3A_481 = arith.addi %mul3A_478, %add3A_480 : i32
      %add3A_482 = vector.broadcast %add3A_481 : i32 to vector<16xi32>
      %add3A_483 = arith.addi %add3A_482, %iota3A_143 : vector<16xi32>
      %gather3A_484 = tpu.vector_load_idx %arg12[%broadcast_in_dim3A_479, %add3A_483] : memref<512x128xf32, #tpu.memory_space<vmem>>[vector<16xi32>, vector<16xi32>], vector<16xf32>,
      %swap3A_485 = arith.index_cast %add3A_474 : i32 to index
      %swap3A_486 = arith.constant 96 : index
      %swap3A_487 = tpu.vector_load %arg14[%swap3A_485, %swap3A_486] {strides = array<i32>} : memref<128x128xf32, #tpu.memory_space<vmem>>, vector<16xf32>,
      tpu.vector_store %arg14[%swap3A_485, %swap3A_486], %gather3A_484 {strides = array<i32>} : memref<128x128xf32, #tpu.memory_space<vmem>>, vector<16xf32>,
      %add3A_488 = arith.constant 16 : i32
      %add3A_489 = arith.addi %mul3A_478, %add3A_488 : i32
      %add3A_490 = vector.broadcast %add3A_489 : i32 to vector<16xi32>
      %add3A_491 = arith.addi %add3A_490, %iota3A_143 : vector<16xi32>
      %gather3A_492 = tpu.vector_load_idx %arg12[%broadcast_in_dim3A_479, %add3A_491] : memref<512x128xf32, #tpu.memory_space<vmem>>[vector<16xi32>, vector<16xi32>], vector<16xf32>,
      %swap3A_493 = arith.index_cast %add3A_474 : i32 to index
      %swap3A_494 = arith.constant 112 : index
      %swap3A_495 = tpu.vector_load %arg14[%swap3A_493, %swap3A_494] {strides = array<i32>} : memref<128x128xf32, #tpu.memory_space<vmem>>, vector<16xf32>,
      tpu.vector_store %arg14[%swap3A_493, %swap3A_494], %gather3A_492 {strides = array<i32>} : memref<128x128xf32, #tpu.memory_space<vmem>>, vector<16xf32>,
      %mul3A_496 = arith.constant 16 : i32
      %mul3A_497 = arith.muli %scan3A_149, %mul3A_496 : i32
      %add3A_498 = arith.constant 12 : i32
      %add3A_499 = arith.addi %mul3A_497, %add3A_498 : i32
      %mul3A_500 = arith.constant 4 : i32
      %mul3A_501 = arith.muli %scan3A_149, %mul3A_500 : i32
      %add3A_502 = arith.constant 3 : i32
      %add3A_503 = arith.addi %mul3A_501, %add3A_502 : i32
      %slice3A_504 = vector.extract_strided_slice %get3A_152 {offsets = [12], sizes = [1], strides = [1]} : vector<16xi32> to vector<1xi32>
      %squeeze3A_505 = vector.extract %slice3A_504[0] : i32 from vector<1xi32>
      %mul3A_506 = arith.constant 32 : i32
      %mul3A_507 = arith.muli %squeeze3A_505, %mul3A_506 : i32
      %broadcast_in_dim3A_508 = vector.broadcast %add3A_499 : i32 to vector<16xi32>
      %add3A_509 = arith.constant 0 : i32
      %add3A_510 = arith.addi %mul3A_507, %add3A_509 : i32
      %add3A_511 = vector.broadcast %add3A_510 : i32 to vector<16xi32>
      %add3A_512 = arith.addi %add3A_511, %iota3A_143 : vector<16xi32>
      %gather3A_513 = tpu.vector_load_idx %arg12[%broadcast_in_dim3A_508, %add3A_512] : memref<512x128xf32, #tpu.memory_space<vmem>>[vector<16xi32>, vector<16xi32>], vector<16xf32>,
      %swap3A_514 = arith.index_cast %add3A_503 : i32 to index
      %swap3A_515 = arith.constant 0 : index
      %swap3A_516 = tpu.vector_load %arg14[%swap3A_514, %swap3A_515] {strides = array<i32>} : memref<128x128xf32, #tpu.memory_space<vmem>>, vector<16xf32>,
      tpu.vector_store %arg14[%swap3A_514, %swap3A_515], %gather3A_513 {strides = array<i32>} : memref<128x128xf32, #tpu.memory_space<vmem>>, vector<16xf32>,
      %add3A_517 = arith.constant 16 : i32
      %add3A_518 = arith.addi %mul3A_507, %add3A_517 : i32
      %add3A_519 = vector.broadcast %add3A_518 : i32 to vector<16xi32>
      %add3A_520 = arith.addi %add3A_519, %iota3A_143 : vector<16xi32>
      %gather3A_521 = tpu.vector_load_idx %arg12[%broadcast_in_dim3A_508, %add3A_520] : memref<512x128xf32, #tpu.memory_space<vmem>>[vector<16xi32>, vector<16xi32>], vector<16xf32>,
      %swap3A_522 = arith.index_cast %add3A_503 : i32 to index
      %swap3A_523 = arith.constant 16 : index
      %swap3A_524 = tpu.vector_load %arg14[%swap3A_522, %swap3A_523] {strides = array<i32>} : memref<128x128xf32, #tpu.memory_space<vmem>>, vector<16xf32>,
      tpu.vector_store %arg14[%swap3A_522, %swap3A_523], %gather3A_521 {strides = array<i32>} : memref<128x128xf32, #tpu.memory_space<vmem>>, vector<16xf32>,
      %mul3A_525 = arith.constant 16 : i32
      %mul3A_526 = arith.muli %scan3A_149, %mul3A_525 : i32
      %add3A_527 = arith.constant 13 : i32
      %add3A_528 = arith.addi %mul3A_526, %add3A_527 : i32
      %mul3A_529 = arith.constant 4 : i32
      %mul3A_530 = arith.muli %scan3A_149, %mul3A_529 : i32
      %add3A_531 = arith.constant 3 : i32
      %add3A_532 = arith.addi %mul3A_530, %add3A_531 : i32
      %slice3A_533 = vector.extract_strided_slice %get3A_152 {offsets = [13], sizes = [1], strides = [1]} : vector<16xi32> to vector<1xi32>
      %squeeze3A_534 = vector.extract %slice3A_533[0] : i32 from vector<1xi32>
      %mul3A_535 = arith.constant 32 : i32
      %mul3A_536 = arith.muli %squeeze3A_534, %mul3A_535 : i32
      %broadcast_in_dim3A_537 = vector.broadcast %add3A_528 : i32 to vector<16xi32>
      %add3A_538 = arith.constant 0 : i32
      %add3A_539 = arith.addi %mul3A_536, %add3A_538 : i32
      %add3A_540 = vector.broadcast %add3A_539 : i32 to vector<16xi32>
      %add3A_541 = arith.addi %add3A_540, %iota3A_143 : vector<16xi32>
      %gather3A_542 = tpu.vector_load_idx %arg12[%broadcast_in_dim3A_537, %add3A_541] : memref<512x128xf32, #tpu.memory_space<vmem>>[vector<16xi32>, vector<16xi32>], vector<16xf32>,
      %swap3A_543 = arith.index_cast %add3A_532 : i32 to index
      %swap3A_544 = arith.constant 32 : index
      %swap3A_545 = tpu.vector_load %arg14[%swap3A_543, %swap3A_544] {strides = array<i32>} : memref<128x128xf32, #tpu.memory_space<vmem>>, vector<16xf32>,
      tpu.vector_store %arg14[%swap3A_543, %swap3A_544], %gather3A_542 {strides = array<i32>} : memref<128x128xf32, #tpu.memory_space<vmem>>, vector<16xf32>,
      %add3A_546 = arith.constant 16 : i32
      %add3A_547 = arith.addi %mul3A_536, %add3A_546 : i32
      %add3A_548 = vector.broadcast %add3A_547 : i32 to vector<16xi32>
      %add3A_549 = arith.addi %add3A_548, %iota3A_143 : vector<16xi32>
      %gather3A_550 = tpu.vector_load_idx %arg12[%broadcast_in_dim3A_537, %add3A_549] : memref<512x128xf32, #tpu.memory_space<vmem>>[vector<16xi32>, vector<16xi32>], vector<16xf32>,
      %swap3A_551 = arith.index_cast %add3A_532 : i32 to index
      %swap3A_552 = arith.constant 48 : index
      %swap3A_553 = tpu.vector_load %arg14[%swap3A_551, %swap3A_552] {strides = array<i32>} : memref<128x128xf32, #tpu.memory_space<vmem>>, vector<16xf32>,
      tpu.vector_store %arg14[%swap3A_551, %swap3A_552], %gather3A_550 {strides = array<i32>} : memref<128x128xf32, #tpu.memory_space<vmem>>, vector<16xf32>,
      %mul3A_554 = arith.constant 16 : i32
      %mul3A_555 = arith.muli %scan3A_149, %mul3A_554 : i32
      %add3A_556 = arith.constant 14 : i32
      %add3A_557 = arith.addi %mul3A_555, %add3A_556 : i32
      %mul3A_558 = arith.constant 4 : i32
      %mul3A_559 = arith.muli %scan3A_149, %mul3A_558 : i32
      %add3A_560 = arith.constant 3 : i32
      %add3A_561 = arith.addi %mul3A_559, %add3A_560 : i32
      %slice3A_562 = vector.extract_strided_slice %get3A_152 {offsets = [14], sizes = [1], strides = [1]} : vector<16xi32> to vector<1xi32>
      %squeeze3A_563 = vector.extract %slice3A_562[0] : i32 from vector<1xi32>
      %mul3A_564 = arith.constant 32 : i32
      %mul3A_565 = arith.muli %squeeze3A_563, %mul3A_564 : i32
      %broadcast_in_dim3A_566 = vector.broadcast %add3A_557 : i32 to vector<16xi32>
      %add3A_567 = arith.constant 0 : i32
      %add3A_568 = arith.addi %mul3A_565, %add3A_567 : i32
      %add3A_569 = vector.broadcast %add3A_568 : i32 to vector<16xi32>
      %add3A_570 = arith.addi %add3A_569, %iota3A_143 : vector<16xi32>
      %gather3A_571 = tpu.vector_load_idx %arg12[%broadcast_in_dim3A_566, %add3A_570] : memref<512x128xf32, #tpu.memory_space<vmem>>[vector<16xi32>, vector<16xi32>], vector<16xf32>,
      %swap3A_572 = arith.index_cast %add3A_561 : i32 to index
      %swap3A_573 = arith.constant 64 : index
      %swap3A_574 = tpu.vector_load %arg14[%swap3A_572, %swap3A_573] {strides = array<i32>} : memref<128x128xf32, #tpu.memory_space<vmem>>, vector<16xf32>,
      tpu.vector_store %arg14[%swap3A_572, %swap3A_573], %gather3A_571 {strides = array<i32>} : memref<128x128xf32, #tpu.memory_space<vmem>>, vector<16xf32>,
      %add3A_575 = arith.constant 16 : i32
      %add3A_576 = arith.addi %mul3A_565, %add3A_575 : i32
      %add3A_577 = vector.broadcast %add3A_576 : i32 to vector<16xi32>
      %add3A_578 = arith.addi %add3A_577, %iota3A_143 : vector<16xi32>
      %gather3A_579 = tpu.vector_load_idx %arg12[%broadcast_in_dim3A_566, %add3A_578] : memref<512x128xf32, #tpu.memory_space<vmem>>[vector<16xi32>, vector<16xi32>], vector<16xf32>,
      %swap3A_580 = arith.index_cast %add3A_561 : i32 to index
      %swap3A_581 = arith.constant 80 : index
      %swap3A_582 = tpu.vector_load %arg14[%swap3A_580, %swap3A_581] {strides = array<i32>} : memref<128x128xf32, #tpu.memory_space<vmem>>, vector<16xf32>,
      tpu.vector_store %arg14[%swap3A_580, %swap3A_581], %gather3A_579 {strides = array<i32>} : memref<128x128xf32, #tpu.memory_space<vmem>>, vector<16xf32>,
      %mul3A_583 = arith.constant 16 : i32
      %mul3A_584 = arith.muli %scan3A_149, %mul3A_583 : i32
      %add3A_585 = arith.constant 15 : i32
      %add3A_586 = arith.addi %mul3A_584, %add3A_585 : i32
      %mul3A_587 = arith.constant 4 : i32
      %mul3A_588 = arith.muli %scan3A_149, %mul3A_587 : i32
      %add3A_589 = arith.constant 3 : i32
      %add3A_590 = arith.addi %mul3A_588, %add3A_589 : i32
      %slice3A_591 = vector.extract_strided_slice %get3A_152 {offsets = [15], sizes = [1], strides = [1]} : vector<16xi32> to vector<1xi32>
      %squeeze3A_592 = vector.extract %slice3A_591[0] : i32 from vector<1xi32>
      %mul3A_593 = arith.constant 32 : i32
      %mul3A_594 = arith.muli %squeeze3A_592, %mul3A_593 : i32
      %broadcast_in_dim3A_595 = vector.broadcast %add3A_586 : i32 to vector<16xi32>
      %add3A_596 = arith.constant 0 : i32
      %add3A_597 = arith.addi %mul3A_594, %add3A_596 : i32
      %add3A_598 = vector.broadcast %add3A_597 : i32 to vector<16xi32>
      %add3A_599 = arith.addi %add3A_598, %iota3A_143 : vector<16xi32>
      %gather3A_600 = tpu.vector_load_idx %arg12[%broadcast_in_dim3A_595, %add3A_599] : memref<512x128xf32, #tpu.memory_space<vmem>>[vector<16xi32>, vector<16xi32>], vector<16xf32>,
      %swap3A_601 = arith.index_cast %add3A_590 : i32 to index
      %swap3A_602 = arith.constant 96 : index
      %swap3A_603 = tpu.vector_load %arg14[%swap3A_601, %swap3A_602] {strides = array<i32>} : memref<128x128xf32, #tpu.memory_space<vmem>>, vector<16xf32>,
      tpu.vector_store %arg14[%swap3A_601, %swap3A_602], %gather3A_600 {strides = array<i32>} : memref<128x128xf32, #tpu.memory_space<vmem>>, vector<16xf32>,
      %add3A_604 = arith.constant 16 : i32
      %add3A_605 = arith.addi %mul3A_594, %add3A_604 : i32
      %add3A_606 = vector.broadcast %add3A_605 : i32 to vector<16xi32>
      %add3A_607 = arith.addi %add3A_606, %iota3A_143 : vector<16xi32>
      %gather3A_608 = tpu.vector_load_idx %arg12[%broadcast_in_dim3A_595, %add3A_607] : memref<512x128xf32, #tpu.memory_space<vmem>>[vector<16xi32>, vector<16xi32>], vector<16xf32>,
      %swap3A_609 = arith.index_cast %add3A_590 : i32 to index
      %swap3A_610 = arith.constant 112 : index
      %swap3A_611 = tpu.vector_load %arg14[%swap3A_609, %swap3A_610] {strides = array<i32>} : memref<128x128xf32, #tpu.memory_space<vmem>>, vector<16xf32>,
      tpu.vector_store %arg14[%swap3A_609, %swap3A_610], %gather3A_608 {strides = array<i32>} : memref<128x128xf32, #tpu.memory_space<vmem>>, vector<16xf32>,
    }
    %scan3A_148 = arith.constant 32 : i32
    "tpu.region"() ({
      %run_scoped3A = tpu.sem_alloc : memref<!tpu.dma_semaphore, #tpu.memory_space<semaphore_mem>>
      %dma_start3A_149 = arith.constant 0 : i32
      %dma_start3A_150 = arith.constant 0 : i32
      %dma_start3A_151 = tpu.memref_slice %arg6[%add3A, %dma_start3A_149, %dma_start3A_150] : memref<32x128x128xf32, #tpu.memory_space<hbm>> -> memref<1x128x128xf32, #tpu.memory_space<hbm>>
      %dma_start3A_152 = tpu.memref_squeeze %dma_start3A_151 : memref<1x128x128xf32, #tpu.memory_space<hbm>> -> memref<128x128xf32, #tpu.memory_space<hbm>>
      %dma_start3A_153 = arith.constant 0 : i32
      %dma_start3A_154 = arith.constant 0 : i32
      %dma_start3A_155 = tpu.memref_slice %arg6[%add3A, %dma_start3A_153, %dma_start3A_154] : memref<32x128x128xf32, #tpu.memory_space<hbm>> -> memref<1x128x128xf32, #tpu.memory_space<hbm>>
      %dma_start3A_156 = tpu.memref_squeeze %dma_start3A_155 : memref<1x128x128xf32, #tpu.memory_space<hbm>> -> memref<128x128xf32, #tpu.memory_space<hbm>>
      tpu.enqueue_dma source(%arg13 : memref<128x128xf32, #tpu.memory_space<vmem>>) target(%dma_start3A_156 : memref<128x128xf32, #tpu.memory_space<hbm>>) target_semaphore(%run_scoped3A : memref<!tpu.dma_semaphore, #tpu.memory_space<semaphore_mem>>)
      %dma_wait3A_157 = arith.constant 0 : i32
      %dma_wait3A_158 = arith.constant 0 : i32
      %dma_wait3A_159 = tpu.memref_slice %arg6[%add3A, %dma_wait3A_157, %dma_wait3A_158] : memref<32x128x128xf32, #tpu.memory_space<hbm>> -> memref<1x128x128xf32, #tpu.memory_space<hbm>>
      %dma_wait3A_160 = tpu.memref_squeeze %dma_wait3A_159 : memref<1x128x128xf32, #tpu.memory_space<hbm>> -> memref<128x128xf32, #tpu.memory_space<hbm>>
      %dma_wait3A_161 = arith.constant 0 : i32
      %dma_wait3A_162 = arith.constant 0 : i32
      %dma_wait3A_163 = tpu.memref_slice %arg6[%add3A, %dma_wait3A_161, %dma_wait3A_162] : memref<32x128x128xf32, #tpu.memory_space<hbm>> -> memref<1x128x128xf32, #tpu.memory_space<hbm>>
      %dma_wait3A_164 = tpu.memref_squeeze %dma_wait3A_163 : memref<1x128x128xf32, #tpu.memory_space<hbm>> -> memref<128x128xf32, #tpu.memory_space<hbm>>
      tpu.wait_dma2 semaphore(%run_scoped3A : memref<!tpu.dma_semaphore, #tpu.memory_space<semaphore_mem>>) src(%arg13 : memref<128x128xf32, #tpu.memory_space<vmem>>) dst(%dma_wait3A_164 : memref<128x128xf32, #tpu.memory_space<hbm>>)
      tpu.yield
    }) : () -> ()
    "tpu.region"() ({
      %run_scoped3A = tpu.sem_alloc : memref<!tpu.dma_semaphore, #tpu.memory_space<semaphore_mem>>
      %dma_start3A_149 = arith.constant 0 : i32
      %dma_start3A_150 = arith.constant 0 : i32
      %dma_start3A_151 = tpu.memref_slice %arg7[%add3A, %dma_start3A_149, %dma_start3A_150] : memref<32x128x128xf32, #tpu.memory_space<hbm>> -> memref<1x128x128xf32, #tpu.memory_space<hbm>>
      %dma_start3A_152 = tpu.memref_squeeze %dma_start3A_151 : memref<1x128x128xf32, #tpu.memory_space<hbm>> -> memref<128x128xf32, #tpu.memory_space<hbm>>
      %dma_start3A_153 = arith.constant 0 : i32
      %dma_start3A_154 = arith.constant 0 : i32
      %dma_start3A_155 = tpu.memref_slice %arg7[%add3A, %dma_start3A_153, %dma_start3A_154] : memref<32x128x128xf32, #tpu.memory_space<hbm>> -> memref<1x128x128xf32, #tpu.memory_space<hbm>>
      %dma_start3A_156 = tpu.memref_squeeze %dma_start3A_155 : memref<1x128x128xf32, #tpu.memory_space<hbm>> -> memref<128x128xf32, #tpu.memory_space<hbm>>
      tpu.enqueue_dma source(%arg14 : memref<128x128xf32, #tpu.memory_space<vmem>>) target(%dma_start3A_156 : memref<128x128xf32, #tpu.memory_space<hbm>>) target_semaphore(%run_scoped3A : memref<!tpu.dma_semaphore, #tpu.memory_space<semaphore_mem>>)
      %dma_wait3A_157 = arith.constant 0 : i32
      %dma_wait3A_158 = arith.constant 0 : i32
      %dma_wait3A_159 = tpu.memref_slice %arg7[%add3A, %dma_wait3A_157, %dma_wait3A_158] : memref<32x128x128xf32, #tpu.memory_space<hbm>> -> memref<1x128x128xf32, #tpu.memory_space<hbm>>
      %dma_wait3A_160 = tpu.memref_squeeze %dma_wait3A_159 : memref<1x128x128xf32, #tpu.memory_space<hbm>> -> memref<128x128xf32, #tpu.memory_space<hbm>>
      %dma_wait3A_161 = arith.constant 0 : i32
      %dma_wait3A_162 = arith.constant 0 : i32
      %dma_wait3A_163 = tpu.memref_slice %arg7[%add3A, %dma_wait3A_161, %dma_wait3A_162] : memref<32x128x128xf32, #tpu.memory_space<hbm>> -> memref<1x128x128xf32, #tpu.memory_space<hbm>>
      %dma_wait3A_164 = tpu.memref_squeeze %dma_wait3A_163 : memref<1x128x128xf32, #tpu.memory_space<hbm>> -> memref<128x128xf32, #tpu.memory_space<hbm>>
      tpu.wait_dma2 semaphore(%run_scoped3A : memref<!tpu.dma_semaphore, #tpu.memory_space<semaphore_mem>>) src(%arg14 : memref<128x128xf32, #tpu.memory_space<vmem>>) dst(%dma_wait3A_164 : memref<128x128xf32, #tpu.memory_space<hbm>>)
      tpu.yield
    }) : () -> ()
    return
  }
}

module attributes {stable_mosaic.version = 14 : i64} {
  func.func @_mlp_body(%arg0: i32, %arg1: memref<1024x128xf32, #tpu.memory_space<vmem>>, %arg2: memref<1024x128xf32, #tpu.memory_space<vmem>>, %arg3: memref<32x64xf32, #tpu.memory_space<vmem>>, %arg4: memref<32x64xf32, #tpu.memory_space<vmem>>, %arg5: memref<1x64xf32, #tpu.memory_space<vmem>>, %arg6: memref<64x32xf32, #tpu.memory_space<vmem>>, %arg7: memref<1x32xf32, #tpu.memory_space<vmem>>, %arg8: memref<32x1xf32, #tpu.memory_space<vmem>>, %arg9: memref<1x1xf32, #tpu.memory_space<vmem>>, %arg10: memref<1024x4xf32, #tpu.memory_space<vmem>>) attributes {dimension_semantics = [#tpu.dimension_semantics<arbitrary>], iteration_bounds = array<i64: 4>, scalar_prefetch = 0 : i64, scratch_operands = 0 : i64, tpu.core_type = #tpu.core_type<tc>, window_params = [{transform_indices = @transform_0, window_bounds = array<i64: 1024, 128>}, {transform_indices = @transform_1, window_bounds = array<i64: 1024, 128>}, {pipeline_mode = #tpu.pipeline_mode<synchronous>, transform_indices = @transform_2, window_bounds = array<i64: 32, 64>}, {pipeline_mode = #tpu.pipeline_mode<synchronous>, transform_indices = @transform_3, window_bounds = array<i64: 32, 64>}, {pipeline_mode = #tpu.pipeline_mode<synchronous>, transform_indices = @transform_4, window_bounds = array<i64: 1, 64>}, {pipeline_mode = #tpu.pipeline_mode<synchronous>, transform_indices = @transform_5, window_bounds = array<i64: 64, 32>}, {pipeline_mode = #tpu.pipeline_mode<synchronous>, transform_indices = @transform_6, window_bounds = array<i64: 1, 32>}, {pipeline_mode = #tpu.pipeline_mode<synchronous>, transform_indices = @transform_7, window_bounds = array<i64: 32, 1>}, {pipeline_mode = #tpu.pipeline_mode<synchronous>, transform_indices = @transform_8, window_bounds = array<i64: 1, 1>}, {transform_indices = @transform_9, window_bounds = array<i64: 1024, 4>}]} {
    %get3A = arith.constant 0 : index
    %get3A_0 = arith.constant 0 : index
    %get3A_1 = vector.load %arg1[%get3A, %get3A_0] : memref<1024x128xf32, #tpu.memory_space<vmem>>, vector<1024x32xf32>
    %get3A_2 = arith.constant 0 : index
    %get3A_3 = arith.constant 0 : index
    %get3A_4 = vector.load %arg2[%get3A_2, %get3A_3] : memref<1024x128xf32, #tpu.memory_space<vmem>>, vector<1024x32xf32>
    %get3A_5 = arith.constant 0 : index
    %get3A_6 = arith.constant 0 : index
    %get3A_7 = vector.load %arg3[%get3A_5, %get3A_6] : memref<32x64xf32, #tpu.memory_space<vmem>>, vector<32x64xf32>
    %dot_general3A = arith.constant dense<0.000000e+00> : vector<1024x64xf32>
    %dot_general3A_8 = tpu.matmul %get3A_1, %get3A_7, %dot_general3A {dimension_numbers = #tpu.dot_dimension_numbers<[1], [0], [0], [1], [0, 0, 1, 1], [], []>, transpose_lhs_hint = false} : vector<1024x32xf32>, vector<32x64xf32>, vector<1024x64xf32> -> vector<1024x64xf32>
    %get3A_9 = arith.constant 0 : index
    %get3A_10 = arith.constant 0 : index
    %get3A_11 = vector.load %arg4[%get3A_9, %get3A_10] : memref<32x64xf32, #tpu.memory_space<vmem>>, vector<32x64xf32>
    %dot_general3A_12 = arith.constant dense<0.000000e+00> : vector<1024x64xf32>
    %dot_general3A_13 = tpu.matmul %get3A_4, %get3A_11, %dot_general3A_12 {dimension_numbers = #tpu.dot_dimension_numbers<[1], [0], [0], [1], [0, 0, 1, 1], [], []>, transpose_lhs_hint = false} : vector<1024x32xf32>, vector<32x64xf32>, vector<1024x64xf32> -> vector<1024x64xf32>
    %add3A = arith.addf %dot_general3A_8, %dot_general3A_13 : vector<1024x64xf32>
    %get3A_14 = arith.constant 0 : index
    %get3A_15 = arith.constant 0 : index
    %get3A_16 = vector.load %arg5[%get3A_14, %get3A_15] : memref<1x64xf32, #tpu.memory_space<vmem>>, vector<1x64xf32>
    %add3A_17 = vector.broadcast %get3A_16 : vector<1x64xf32> to vector<1024x64xf32>
    %add3A_18 = arith.addf %add3A, %add3A_17 : vector<1024x64xf32>
    %max3A = arith.constant 0.000000e+00 : f32
    %max3A_19 = vector.broadcast %max3A : f32 to vector<1024x64xf32>
    %max3A_20 = arith.maximumf %add3A_18, %max3A_19 : vector<1024x64xf32>
    %get3A_21 = arith.constant 0 : index
    %get3A_22 = arith.constant 0 : index
    %get3A_23 = vector.load %arg6[%get3A_21, %get3A_22] : memref<64x32xf32, #tpu.memory_space<vmem>>, vector<64x32xf32>
    %dot_general3A_24 = arith.constant dense<0.000000e+00> : vector<1024x32xf32>
    %dot_general3A_25 = tpu.matmul %max3A_20, %get3A_23, %dot_general3A_24 {dimension_numbers = #tpu.dot_dimension_numbers<[1], [0], [0], [1], [0, 0, 1, 1], [], []>, transpose_lhs_hint = false} : vector<1024x64xf32>, vector<64x32xf32>, vector<1024x32xf32> -> vector<1024x32xf32>
    %get3A_26 = arith.constant 0 : index
    %get3A_27 = arith.constant 0 : index
    %get3A_28 = vector.load %arg7[%get3A_26, %get3A_27] : memref<1x32xf32, #tpu.memory_space<vmem>>, vector<1x32xf32>
    %add3A_29 = vector.broadcast %get3A_28 : vector<1x32xf32> to vector<1024x32xf32>
    %add3A_30 = arith.addf %dot_general3A_25, %add3A_29 : vector<1024x32xf32>
    %max3A_31 = arith.constant 0.000000e+00 : f32
    %max3A_32 = vector.broadcast %max3A_31 : f32 to vector<1024x32xf32>
    %max3A_33 = arith.maximumf %add3A_30, %max3A_32 : vector<1024x32xf32>
    %get3A_34 = arith.constant 0 : index
    %get3A_35 = arith.constant 0 : index
    %get3A_36 = vector.load %arg8[%get3A_34, %get3A_35] : memref<32x1xf32, #tpu.memory_space<vmem>>, vector<32x1xf32>
    %dot_general3A_37 = arith.constant dense<0.000000e+00> : vector<1024x1xf32>
    %dot_general3A_38 = tpu.matmul %max3A_33, %get3A_36, %dot_general3A_37 {dimension_numbers = #tpu.dot_dimension_numbers<[1], [0], [0], [1], [0, 0, 1, 1], [], []>, transpose_lhs_hint = false} : vector<1024x32xf32>, vector<32x1xf32>, vector<1024x1xf32> -> vector<1024x1xf32>
    %get3A_39 = arith.constant 0 : index
    %get3A_40 = arith.constant 32 : index
    %get3A_41 = vector.load %arg1[%get3A_39, %get3A_40] : memref<1024x128xf32, #tpu.memory_space<vmem>>, vector<1024x32xf32>
    %get3A_42 = arith.constant 0 : index
    %get3A_43 = arith.constant 32 : index
    %get3A_44 = vector.load %arg2[%get3A_42, %get3A_43] : memref<1024x128xf32, #tpu.memory_space<vmem>>, vector<1024x32xf32>
    %get3A_45 = arith.constant 0 : index
    %get3A_46 = arith.constant 0 : index
    %get3A_47 = vector.load %arg3[%get3A_45, %get3A_46] : memref<32x64xf32, #tpu.memory_space<vmem>>, vector<32x64xf32>
    %dot_general3A_48 = arith.constant dense<0.000000e+00> : vector<1024x64xf32>
    %dot_general3A_49 = tpu.matmul %get3A_41, %get3A_47, %dot_general3A_48 {dimension_numbers = #tpu.dot_dimension_numbers<[1], [0], [0], [1], [0, 0, 1, 1], [], []>, transpose_lhs_hint = false} : vector<1024x32xf32>, vector<32x64xf32>, vector<1024x64xf32> -> vector<1024x64xf32>
    %get3A_50 = arith.constant 0 : index
    %get3A_51 = arith.constant 0 : index
    %get3A_52 = vector.load %arg4[%get3A_50, %get3A_51] : memref<32x64xf32, #tpu.memory_space<vmem>>, vector<32x64xf32>
    %dot_general3A_53 = arith.constant dense<0.000000e+00> : vector<1024x64xf32>
    %dot_general3A_54 = tpu.matmul %get3A_44, %get3A_52, %dot_general3A_53 {dimension_numbers = #tpu.dot_dimension_numbers<[1], [0], [0], [1], [0, 0, 1, 1], [], []>, transpose_lhs_hint = false} : vector<1024x32xf32>, vector<32x64xf32>, vector<1024x64xf32> -> vector<1024x64xf32>
    %add3A_55 = arith.addf %dot_general3A_49, %dot_general3A_54 : vector<1024x64xf32>
    %get3A_56 = arith.constant 0 : index
    %get3A_57 = arith.constant 0 : index
    %get3A_58 = vector.load %arg5[%get3A_56, %get3A_57] : memref<1x64xf32, #tpu.memory_space<vmem>>, vector<1x64xf32>
    %add3A_59 = vector.broadcast %get3A_58 : vector<1x64xf32> to vector<1024x64xf32>
    %add3A_60 = arith.addf %add3A_55, %add3A_59 : vector<1024x64xf32>
    %max3A_61 = arith.constant 0.000000e+00 : f32
    %max3A_62 = vector.broadcast %max3A_61 : f32 to vector<1024x64xf32>
    %max3A_63 = arith.maximumf %add3A_60, %max3A_62 : vector<1024x64xf32>
    %get3A_64 = arith.constant 0 : index
    %get3A_65 = arith.constant 0 : index
    %get3A_66 = vector.load %arg6[%get3A_64, %get3A_65] : memref<64x32xf32, #tpu.memory_space<vmem>>, vector<64x32xf32>
    %dot_general3A_67 = arith.constant dense<0.000000e+00> : vector<1024x32xf32>
    %dot_general3A_68 = tpu.matmul %max3A_63, %get3A_66, %dot_general3A_67 {dimension_numbers = #tpu.dot_dimension_numbers<[1], [0], [0], [1], [0, 0, 1, 1], [], []>, transpose_lhs_hint = false} : vector<1024x64xf32>, vector<64x32xf32>, vector<1024x32xf32> -> vector<1024x32xf32>
    %get3A_69 = arith.constant 0 : index
    %get3A_70 = arith.constant 0 : index
    %get3A_71 = vector.load %arg7[%get3A_69, %get3A_70] : memref<1x32xf32, #tpu.memory_space<vmem>>, vector<1x32xf32>
    %add3A_72 = vector.broadcast %get3A_71 : vector<1x32xf32> to vector<1024x32xf32>
    %add3A_73 = arith.addf %dot_general3A_68, %add3A_72 : vector<1024x32xf32>
    %max3A_74 = arith.constant 0.000000e+00 : f32
    %max3A_75 = vector.broadcast %max3A_74 : f32 to vector<1024x32xf32>
    %max3A_76 = arith.maximumf %add3A_73, %max3A_75 : vector<1024x32xf32>
    %get3A_77 = arith.constant 0 : index
    %get3A_78 = arith.constant 0 : index
    %get3A_79 = vector.load %arg8[%get3A_77, %get3A_78] : memref<32x1xf32, #tpu.memory_space<vmem>>, vector<32x1xf32>
    %dot_general3A_80 = arith.constant dense<0.000000e+00> : vector<1024x1xf32>
    %dot_general3A_81 = tpu.matmul %max3A_76, %get3A_79, %dot_general3A_80 {dimension_numbers = #tpu.dot_dimension_numbers<[1], [0], [0], [1], [0, 0, 1, 1], [], []>, transpose_lhs_hint = false} : vector<1024x32xf32>, vector<32x1xf32>, vector<1024x1xf32> -> vector<1024x1xf32>
    %get3A_82 = arith.constant 0 : index
    %get3A_83 = arith.constant 64 : index
    %get3A_84 = vector.load %arg1[%get3A_82, %get3A_83] : memref<1024x128xf32, #tpu.memory_space<vmem>>, vector<1024x32xf32>
    %get3A_85 = arith.constant 0 : index
    %get3A_86 = arith.constant 64 : index
    %get3A_87 = vector.load %arg2[%get3A_85, %get3A_86] : memref<1024x128xf32, #tpu.memory_space<vmem>>, vector<1024x32xf32>
    %get3A_88 = arith.constant 0 : index
    %get3A_89 = arith.constant 0 : index
    %get3A_90 = vector.load %arg3[%get3A_88, %get3A_89] : memref<32x64xf32, #tpu.memory_space<vmem>>, vector<32x64xf32>
    %dot_general3A_91 = arith.constant dense<0.000000e+00> : vector<1024x64xf32>
    %dot_general3A_92 = tpu.matmul %get3A_84, %get3A_90, %dot_general3A_91 {dimension_numbers = #tpu.dot_dimension_numbers<[1], [0], [0], [1], [0, 0, 1, 1], [], []>, transpose_lhs_hint = false} : vector<1024x32xf32>, vector<32x64xf32>, vector<1024x64xf32> -> vector<1024x64xf32>
    %get3A_93 = arith.constant 0 : index
    %get3A_94 = arith.constant 0 : index
    %get3A_95 = vector.load %arg4[%get3A_93, %get3A_94] : memref<32x64xf32, #tpu.memory_space<vmem>>, vector<32x64xf32>
    %dot_general3A_96 = arith.constant dense<0.000000e+00> : vector<1024x64xf32>
    %dot_general3A_97 = tpu.matmul %get3A_87, %get3A_95, %dot_general3A_96 {dimension_numbers = #tpu.dot_dimension_numbers<[1], [0], [0], [1], [0, 0, 1, 1], [], []>, transpose_lhs_hint = false} : vector<1024x32xf32>, vector<32x64xf32>, vector<1024x64xf32> -> vector<1024x64xf32>
    %add3A_98 = arith.addf %dot_general3A_92, %dot_general3A_97 : vector<1024x64xf32>
    %get3A_99 = arith.constant 0 : index
    %get3A_100 = arith.constant 0 : index
    %get3A_101 = vector.load %arg5[%get3A_99, %get3A_100] : memref<1x64xf32, #tpu.memory_space<vmem>>, vector<1x64xf32>
    %add3A_102 = vector.broadcast %get3A_101 : vector<1x64xf32> to vector<1024x64xf32>
    %add3A_103 = arith.addf %add3A_98, %add3A_102 : vector<1024x64xf32>
    %max3A_104 = arith.constant 0.000000e+00 : f32
    %max3A_105 = vector.broadcast %max3A_104 : f32 to vector<1024x64xf32>
    %max3A_106 = arith.maximumf %add3A_103, %max3A_105 : vector<1024x64xf32>
    %get3A_107 = arith.constant 0 : index
    %get3A_108 = arith.constant 0 : index
    %get3A_109 = vector.load %arg6[%get3A_107, %get3A_108] : memref<64x32xf32, #tpu.memory_space<vmem>>, vector<64x32xf32>
    %dot_general3A_110 = arith.constant dense<0.000000e+00> : vector<1024x32xf32>
    %dot_general3A_111 = tpu.matmul %max3A_106, %get3A_109, %dot_general3A_110 {dimension_numbers = #tpu.dot_dimension_numbers<[1], [0], [0], [1], [0, 0, 1, 1], [], []>, transpose_lhs_hint = false} : vector<1024x64xf32>, vector<64x32xf32>, vector<1024x32xf32> -> vector<1024x32xf32>
    %get3A_112 = arith.constant 0 : index
    %get3A_113 = arith.constant 0 : index
    %get3A_114 = vector.load %arg7[%get3A_112, %get3A_113] : memref<1x32xf32, #tpu.memory_space<vmem>>, vector<1x32xf32>
    %add3A_115 = vector.broadcast %get3A_114 : vector<1x32xf32> to vector<1024x32xf32>
    %add3A_116 = arith.addf %dot_general3A_111, %add3A_115 : vector<1024x32xf32>
    %max3A_117 = arith.constant 0.000000e+00 : f32
    %max3A_118 = vector.broadcast %max3A_117 : f32 to vector<1024x32xf32>
    %max3A_119 = arith.maximumf %add3A_116, %max3A_118 : vector<1024x32xf32>
    %get3A_120 = arith.constant 0 : index
    %get3A_121 = arith.constant 0 : index
    %get3A_122 = vector.load %arg8[%get3A_120, %get3A_121] : memref<32x1xf32, #tpu.memory_space<vmem>>, vector<32x1xf32>
    %dot_general3A_123 = arith.constant dense<0.000000e+00> : vector<1024x1xf32>
    %dot_general3A_124 = tpu.matmul %max3A_119, %get3A_122, %dot_general3A_123 {dimension_numbers = #tpu.dot_dimension_numbers<[1], [0], [0], [1], [0, 0, 1, 1], [], []>, transpose_lhs_hint = false} : vector<1024x32xf32>, vector<32x1xf32>, vector<1024x1xf32> -> vector<1024x1xf32>
    %get3A_125 = arith.constant 0 : index
    %get3A_126 = arith.constant 96 : index
    %get3A_127 = vector.load %arg1[%get3A_125, %get3A_126] : memref<1024x128xf32, #tpu.memory_space<vmem>>, vector<1024x32xf32>
    %get3A_128 = arith.constant 0 : index
    %get3A_129 = arith.constant 96 : index
    %get3A_130 = vector.load %arg2[%get3A_128, %get3A_129] : memref<1024x128xf32, #tpu.memory_space<vmem>>, vector<1024x32xf32>
    %get3A_131 = arith.constant 0 : index
    %get3A_132 = arith.constant 0 : index
    %get3A_133 = vector.load %arg3[%get3A_131, %get3A_132] : memref<32x64xf32, #tpu.memory_space<vmem>>, vector<32x64xf32>
    %dot_general3A_134 = arith.constant dense<0.000000e+00> : vector<1024x64xf32>
    %dot_general3A_135 = tpu.matmul %get3A_127, %get3A_133, %dot_general3A_134 {dimension_numbers = #tpu.dot_dimension_numbers<[1], [0], [0], [1], [0, 0, 1, 1], [], []>, transpose_lhs_hint = false} : vector<1024x32xf32>, vector<32x64xf32>, vector<1024x64xf32> -> vector<1024x64xf32>
    %get3A_136 = arith.constant 0 : index
    %get3A_137 = arith.constant 0 : index
    %get3A_138 = vector.load %arg4[%get3A_136, %get3A_137] : memref<32x64xf32, #tpu.memory_space<vmem>>, vector<32x64xf32>
    %dot_general3A_139 = arith.constant dense<0.000000e+00> : vector<1024x64xf32>
    %dot_general3A_140 = tpu.matmul %get3A_130, %get3A_138, %dot_general3A_139 {dimension_numbers = #tpu.dot_dimension_numbers<[1], [0], [0], [1], [0, 0, 1, 1], [], []>, transpose_lhs_hint = false} : vector<1024x32xf32>, vector<32x64xf32>, vector<1024x64xf32> -> vector<1024x64xf32>
    %add3A_141 = arith.addf %dot_general3A_135, %dot_general3A_140 : vector<1024x64xf32>
    %get3A_142 = arith.constant 0 : index
    %get3A_143 = arith.constant 0 : index
    %get3A_144 = vector.load %arg5[%get3A_142, %get3A_143] : memref<1x64xf32, #tpu.memory_space<vmem>>, vector<1x64xf32>
    %add3A_145 = vector.broadcast %get3A_144 : vector<1x64xf32> to vector<1024x64xf32>
    %add3A_146 = arith.addf %add3A_141, %add3A_145 : vector<1024x64xf32>
    %max3A_147 = arith.constant 0.000000e+00 : f32
    %max3A_148 = vector.broadcast %max3A_147 : f32 to vector<1024x64xf32>
    %max3A_149 = arith.maximumf %add3A_146, %max3A_148 : vector<1024x64xf32>
    %get3A_150 = arith.constant 0 : index
    %get3A_151 = arith.constant 0 : index
    %get3A_152 = vector.load %arg6[%get3A_150, %get3A_151] : memref<64x32xf32, #tpu.memory_space<vmem>>, vector<64x32xf32>
    %dot_general3A_153 = arith.constant dense<0.000000e+00> : vector<1024x32xf32>
    %dot_general3A_154 = tpu.matmul %max3A_149, %get3A_152, %dot_general3A_153 {dimension_numbers = #tpu.dot_dimension_numbers<[1], [0], [0], [1], [0, 0, 1, 1], [], []>, transpose_lhs_hint = false} : vector<1024x64xf32>, vector<64x32xf32>, vector<1024x32xf32> -> vector<1024x32xf32>
    %get3A_155 = arith.constant 0 : index
    %get3A_156 = arith.constant 0 : index
    %get3A_157 = vector.load %arg7[%get3A_155, %get3A_156] : memref<1x32xf32, #tpu.memory_space<vmem>>, vector<1x32xf32>
    %add3A_158 = vector.broadcast %get3A_157 : vector<1x32xf32> to vector<1024x32xf32>
    %add3A_159 = arith.addf %dot_general3A_154, %add3A_158 : vector<1024x32xf32>
    %max3A_160 = arith.constant 0.000000e+00 : f32
    %max3A_161 = vector.broadcast %max3A_160 : f32 to vector<1024x32xf32>
    %max3A_162 = arith.maximumf %add3A_159, %max3A_161 : vector<1024x32xf32>
    %get3A_163 = arith.constant 0 : index
    %get3A_164 = arith.constant 0 : index
    %get3A_165 = vector.load %arg8[%get3A_163, %get3A_164] : memref<32x1xf32, #tpu.memory_space<vmem>>, vector<32x1xf32>
    %dot_general3A_166 = arith.constant dense<0.000000e+00> : vector<1024x1xf32>
    %dot_general3A_167 = tpu.matmul %max3A_162, %get3A_165, %dot_general3A_166 {dimension_numbers = #tpu.dot_dimension_numbers<[1], [0], [0], [1], [0, 0, 1, 1], [], []>, transpose_lhs_hint = false} : vector<1024x32xf32>, vector<32x1xf32>, vector<1024x1xf32> -> vector<1024x1xf32>
    %concatenate3A = tpu.concatenate %dot_general3A_38, %dot_general3A_81, %dot_general3A_124, %dot_general3A_167 in 1 : vector<1024x1xf32>, vector<1024x1xf32>, vector<1024x1xf32>, vector<1024x1xf32> -> vector<1024x4xf32>
    %get3A_168 = arith.constant 0 : index
    %get3A_169 = arith.constant 0 : index
    %get3A_170 = vector.load %arg9[%get3A_168, %get3A_169] : memref<1x1xf32, #tpu.memory_space<vmem>>, vector<1x1xf32>
    %add3A_171 = vector.broadcast %get3A_170 : vector<1x1xf32> to vector<1024x4xf32>
    %add3A_172 = arith.addf %concatenate3A, %add3A_171 : vector<1024x4xf32>
    %swap3A = arith.constant 0 : index
    %swap3A_173 = arith.constant 0 : index
    %swap3A_174 = vector.load %arg10[%swap3A, %swap3A_173] : memref<1024x4xf32, #tpu.memory_space<vmem>>, vector<1024x4xf32>
    tpu.vector_store %arg10[%swap3A, %swap3A_173], %add3A_172 {strides = array<i32>} : memref<1024x4xf32, #tpu.memory_space<vmem>>, vector<1024x4xf32>,
    return
  }
  func.func @transform_0(%arg0: i32) -> (i32, i32) {
    %c0_i32 = arith.constant 0 : i32
    %c0_i32_0 = arith.constant 0 : i32
    return %arg0, %c0_i32 : i32, i32
  }
  func.func @transform_1(%arg0: i32) -> (i32, i32) {
    %c0_i32 = arith.constant 0 : i32
    %c0_i32_0 = arith.constant 0 : i32
    return %arg0, %c0_i32 : i32, i32
  }
  func.func @transform_2(%arg0: i32) -> (i32, i32) {
    %c0_i32 = arith.constant 0 : i32
    %c0_i32_0 = arith.constant 0 : i32
    %c0_i32_1 = arith.constant 0 : i32
    return %c0_i32, %c0_i32_0 : i32, i32
  }
  func.func @transform_3(%arg0: i32) -> (i32, i32) {
    %c0_i32 = arith.constant 0 : i32
    %c0_i32_0 = arith.constant 0 : i32
    %c0_i32_1 = arith.constant 0 : i32
    return %c0_i32, %c0_i32_0 : i32, i32
  }
  func.func @transform_4(%arg0: i32) -> (i32, i32) {
    %c0_i32 = arith.constant 0 : i32
    %c0_i32_0 = arith.constant 0 : i32
    %c0_i32_1 = arith.constant 0 : i32
    return %c0_i32, %c0_i32_0 : i32, i32
  }
  func.func @transform_5(%arg0: i32) -> (i32, i32) {
    %c0_i32 = arith.constant 0 : i32
    %c0_i32_0 = arith.constant 0 : i32
    %c0_i32_1 = arith.constant 0 : i32
    return %c0_i32, %c0_i32_0 : i32, i32
  }
  func.func @transform_6(%arg0: i32) -> (i32, i32) {
    %c0_i32 = arith.constant 0 : i32
    %c0_i32_0 = arith.constant 0 : i32
    %c0_i32_1 = arith.constant 0 : i32
    return %c0_i32, %c0_i32_0 : i32, i32
  }
  func.func @transform_7(%arg0: i32) -> (i32, i32) {
    %c0_i32 = arith.constant 0 : i32
    %c0_i32_0 = arith.constant 0 : i32
    %c0_i32_1 = arith.constant 0 : i32
    return %c0_i32, %c0_i32_0 : i32, i32
  }
  func.func @transform_8(%arg0: i32) -> (i32, i32) {
    %c0_i32 = arith.constant 0 : i32
    %c0_i32_0 = arith.constant 0 : i32
    %c0_i32_1 = arith.constant 0 : i32
    return %c0_i32, %c0_i32_0 : i32, i32
  }
  func.func @transform_9(%arg0: i32) -> (i32, i32) {
    %c0_i32 = arith.constant 0 : i32
    %c0_i32_0 = arith.constant 0 : i32
    return %arg0, %c0_i32 : i32, i32
  }
}

module attributes {stable_mosaic.version = 14 : i64} {
  func.func @_tpack_body(%arg0: i32, %arg1: memref<32x16384xf32, #tpu.memory_space<vmem>>, %arg2: memref<32x32xf32, #tpu.memory_space<vmem>>, %arg3: memref<4096x128xf32, #tpu.memory_space<vmem>>) attributes {dimension_semantics = [#tpu.dimension_semantics<arbitrary>], iteration_bounds = array<i64: 62>, scalar_prefetch = 0 : i64, scratch_operands = 0 : i64, tpu.core_type = #tpu.core_type<tc>, window_params = [{transform_indices = @transform_0, window_bounds = array<i64: 32, 16384>}, {pipeline_mode = #tpu.pipeline_mode<synchronous>, transform_indices = @transform_1, window_bounds = array<i64: 32, 32>}, {transform_indices = @transform_2, window_bounds = array<i64: 4096, 128>}]} {
    %get3A = arith.constant 0 : index
    %get3A_0 = arith.constant 0 : index
    %get3A_1 = vector.load %arg1[%get3A, %get3A_0] : memref<32x16384xf32, #tpu.memory_space<vmem>>, vector<32x16384xf32>
    %get3A_2 = arith.constant 0 : index
    %get3A_3 = arith.constant 0 : index
    %get3A_4 = vector.load %arg2[%get3A_2, %get3A_3] : memref<32x32xf32, #tpu.memory_space<vmem>>, vector<32x32xf32>
    %dot_general3A = arith.constant dense<0.000000e+00> : vector<16384x32xf32>
    %dot_general3A_5 = tpu.matmul %get3A_1, %get3A_4, %dot_general3A {dimension_numbers = #tpu.dot_dimension_numbers<[0], [0], [1], [1], [0, 1, 1, 1], [], []>, transpose_lhs_hint = false} : vector<32x16384xf32>, vector<32x32xf32>, vector<16384x32xf32> -> vector<16384x32xf32>
    %slice3A = vector.extract_strided_slice %dot_general3A_5 {offsets = [0, 0], sizes = [4096, 32], strides = [1, 1]} : vector<16384x32xf32> to vector<4096x32xf32>
    %slice3A_6 = vector.extract_strided_slice %dot_general3A_5 {offsets = [4096, 0], sizes = [4096, 32], strides = [1, 1]} : vector<16384x32xf32> to vector<4096x32xf32>
    %slice3A_7 = vector.extract_strided_slice %dot_general3A_5 {offsets = [8192, 0], sizes = [4096, 32], strides = [1, 1]} : vector<16384x32xf32> to vector<4096x32xf32>
    %slice3A_8 = vector.extract_strided_slice %dot_general3A_5 {offsets = [12288, 0], sizes = [4096, 32], strides = [1, 1]} : vector<16384x32xf32> to vector<4096x32xf32>
    %concatenate3A = tpu.concatenate %slice3A, %slice3A_6, %slice3A_7, %slice3A_8 in 1 : vector<4096x32xf32>, vector<4096x32xf32>, vector<4096x32xf32>, vector<4096x32xf32> -> vector<4096x128xf32>
    %swap3A = arith.constant 0 : index
    %swap3A_9 = arith.constant 0 : index
    %swap3A_10 = vector.load %arg3[%swap3A, %swap3A_9] : memref<4096x128xf32, #tpu.memory_space<vmem>>, vector<4096x128xf32>
    tpu.vector_store %arg3[%swap3A, %swap3A_9], %concatenate3A {strides = array<i32>} : memref<4096x128xf32, #tpu.memory_space<vmem>>, vector<4096x128xf32>,
    return
  }
  func.func @transform_0(%arg0: i32) -> (i32, i32) {
    %c0_i32 = arith.constant 0 : i32
    %c0_i32_0 = arith.constant 0 : i32
    return %c0_i32, %arg0 : i32, i32
  }
  func.func @transform_1(%arg0: i32) -> (i32, i32) {
    %c0_i32 = arith.constant 0 : i32
    %c0_i32_0 = arith.constant 0 : i32
    %c0_i32_1 = arith.constant 0 : i32
    return %c0_i32, %c0_i32_0 : i32, i32
  }
  func.func @transform_2(%arg0: i32) -> (i32, i32) {
    %c0_i32 = arith.constant 0 : i32
    %c0_i32_0 = arith.constant 0 : i32
    return %arg0, %c0_i32 : i32, i32
  }
}

module attributes {stable_mosaic.version = 14 : i64} {
  func.func @_tpack_body(%arg0: i32, %arg1: memref<32x16384xf32, #tpu.memory_space<vmem>>, %arg2: memref<32x32xf32, #tpu.memory_space<vmem>>, %arg3: memref<4096x128xf32, #tpu.memory_space<vmem>>) attributes {dimension_semantics = [#tpu.dimension_semantics<arbitrary>], iteration_bounds = array<i64: 7>, scalar_prefetch = 0 : i64, scratch_operands = 0 : i64, tpu.core_type = #tpu.core_type<tc>, window_params = [{transform_indices = @transform_0, window_bounds = array<i64: 32, 16384>}, {pipeline_mode = #tpu.pipeline_mode<synchronous>, transform_indices = @transform_1, window_bounds = array<i64: 32, 32>}, {transform_indices = @transform_2, window_bounds = array<i64: 4096, 128>}]} {
    %get3A = arith.constant 0 : index
    %get3A_0 = arith.constant 0 : index
    %get3A_1 = vector.load %arg1[%get3A, %get3A_0] : memref<32x16384xf32, #tpu.memory_space<vmem>>, vector<32x16384xf32>
    %get3A_2 = arith.constant 0 : index
    %get3A_3 = arith.constant 0 : index
    %get3A_4 = vector.load %arg2[%get3A_2, %get3A_3] : memref<32x32xf32, #tpu.memory_space<vmem>>, vector<32x32xf32>
    %dot_general3A = arith.constant dense<0.000000e+00> : vector<16384x32xf32>
    %dot_general3A_5 = tpu.matmul %get3A_1, %get3A_4, %dot_general3A {dimension_numbers = #tpu.dot_dimension_numbers<[0], [0], [1], [1], [0, 1, 1, 1], [], []>, transpose_lhs_hint = false} : vector<32x16384xf32>, vector<32x32xf32>, vector<16384x32xf32> -> vector<16384x32xf32>
    %slice3A = vector.extract_strided_slice %dot_general3A_5 {offsets = [0, 0], sizes = [4096, 32], strides = [1, 1]} : vector<16384x32xf32> to vector<4096x32xf32>
    %slice3A_6 = vector.extract_strided_slice %dot_general3A_5 {offsets = [4096, 0], sizes = [4096, 32], strides = [1, 1]} : vector<16384x32xf32> to vector<4096x32xf32>
    %slice3A_7 = vector.extract_strided_slice %dot_general3A_5 {offsets = [8192, 0], sizes = [4096, 32], strides = [1, 1]} : vector<16384x32xf32> to vector<4096x32xf32>
    %slice3A_8 = vector.extract_strided_slice %dot_general3A_5 {offsets = [12288, 0], sizes = [4096, 32], strides = [1, 1]} : vector<16384x32xf32> to vector<4096x32xf32>
    %concatenate3A = tpu.concatenate %slice3A, %slice3A_6, %slice3A_7, %slice3A_8 in 1 : vector<4096x32xf32>, vector<4096x32xf32>, vector<4096x32xf32>, vector<4096x32xf32> -> vector<4096x128xf32>
    %swap3A = arith.constant 0 : index
    %swap3A_9 = arith.constant 0 : index
    %swap3A_10 = vector.load %arg3[%swap3A, %swap3A_9] : memref<4096x128xf32, #tpu.memory_space<vmem>>, vector<4096x128xf32>
    tpu.vector_store %arg3[%swap3A, %swap3A_9], %concatenate3A {strides = array<i32>} : memref<4096x128xf32, #tpu.memory_space<vmem>>, vector<4096x128xf32>,
    return
  }
  func.func @transform_0(%arg0: i32) -> (i32, i32) {
    %c0_i32 = arith.constant 0 : i32
    %c0_i32_0 = arith.constant 0 : i32
    return %c0_i32, %arg0 : i32, i32
  }
  func.func @transform_1(%arg0: i32) -> (i32, i32) {
    %c0_i32 = arith.constant 0 : i32
    %c0_i32_0 = arith.constant 0 : i32
    %c0_i32_1 = arith.constant 0 : i32
    return %c0_i32, %c0_i32_0 : i32, i32
  }
  func.func @transform_2(%arg0: i32) -> (i32, i32) {
    %c0_i32 = arith.constant 0 : i32
    %c0_i32_0 = arith.constant 0 : i32
    return %arg0, %c0_i32 : i32, i32
  }
}

</mosaic_0001>

<sc_bundles>
// kernel: kernel.6.cloned.1.call-start
scs
__scs_entry_jumppad:
0x0: {  	(pc) =	sbr.rel $0x88, $3  }
0x1: {  	(tag) =	ssettag $0x0;
	lr =	simm.s32 $0x1  }
0x2: {  	[smem:$0x3F97] =	sst lr;
	_ =	strace $0xD0000000  }
0x3: {  	_ = 	snop  }
0x4: {  	_ = 	snop  }
0x5: {  	_ = 	snop  }
0x6: {  	_ = 	snop  }
0x7: {  	_ = 	snop  }
__scs_overlays_trampoline_lowered:
0x8: {  	[smem:$0x3FA6] =	sst s0  }
0x9: {  	[smem:$0x3FA7] =	sst s1  }
0xa: {  	[smem:$0x3FA8] =	sst s2  }
0xb: {  	[smem:$0x3FA9] =	sst s3  }
0xc: {  	[smem:$0x3FAA] =	sst s4  }
0xd: {  	[smem:$0x3FAB] =	sst s5  }
0xe: {  	[smem:$0x3FAC] =	sst s6  }
0xf: {  	[smem:$0x3FAD] =	sst s7  }
0x10: {  	[smem:$0x3FAE] =	sst s8  }
0x11: {  	[smem:$0x3FAF] =	sst s9;
	s0 =	simm.s32 @!p0 $0x0  }
0x12: {  	s1 =	sld [smem:$0x3F95];
	s0 =	simm.s32 @p0 $0x1  }
0x13: {  	[smem:$0x3FB0] =	sst s0;
	s0 =	simm.s32 @!p1 $0x0  }
0x14: {  	s2 =	sld [smem:$0x3F94];
	s0 =	simm.s32 @p1 $0x1  }
0x15: {  	[smem:$0x3FB1] =	sst s0;
	s0 =	simm.s32 @!p2 $0x0  }
0x16: {  	s3 =	sld [smem:$0x3FDB];
	s0 =	simm.s32 @p2 $0x1  }
0x17: {  	s4 =	simm.s32 $0x1BF5;
	[smem:$0x3FB3] =	sst s0  }
0x18: {  	s0 =	sld [smem:$0x3F96];
	_ =	swait.ge [sflag:s4], $0x0  }
0x19: {  	s7 =	sld [smem:$0x3F97]  }
0x1a: {  	s8 =	sadd.s32 $0xFFFFE003, lr  }
0x1b: {  	s9 =	sadd.s32 $0xFFFFFEF7, lr;
	s5 =	simm.s32 $0xFFFFFFFF;
	p2 =	slt.u32 s8, $0xFFFFF086  }
0x1c: {  	p1 =	slt.u32 s9, $0xF7A;
	s5 =	simm.s32 @!p2 $0x0  }
0x1d: {  	s5 =	simm.s32 @p1 $0x1;
	p0 =	seq.s32 s7, s2  }
0x1e: {  	s7 =	smul.u32 @!p0 $0xF7A, s2;
	p2 =	seq.s32 @!p0 s5, $0x0  }
0x1f: {  	s9 =	smul.u32 $0xF7A, s1;
	s8 =	simm.s32 @!p0 $0x1BF5;
	p2 =	por !p2, p0  }
0x20: {  	[sflag:s8] =	ssyncset.s32 @!p0 $0xFFFFF086;
	s6 =	sadd.s32 @!p0 s3, s7;
	s7 =	simm.s32 @!p0 $0x108  }
0x21: {  	s3 =	sadd.s32 s3, s9;
	s6 =	sadd.s32 @!p0 $0x88, s6;
	s7 =	simm.s32 @p2 $0x1082  }
0x22: {  	[simem:s7], [sflag:s8] =	dma.local @!p0 [hbm:s6], $0xF7A  }
0x23: {  	s9 =	sor.u32 $0xD0000000, s2;
	s6 =	simm.s32 $0x108;
	_ =	swait.ge @!p0 [sflag:s8], $0x0  }
0x24: {  	s3 =	sadd.s32 $0x88, s3;
	s6 =	simm.s32 @!p1 $0x1082;
	[sflag:s4] =	ssyncset.s32 $0xFFFFF086  }
0x25: {  	[simem:s6], [sflag:s4] =	dma.local [hbm:s3], $0xF7A  }
0x26: {  	[smem:$0x3F97] =	sst s1;
	(tag) =	ssettag s2;
	_ =	strace s9  }
0x27: {  	s1 =	sld [smem:$0x3FA7]  }
0x28: {  	s2 =	sld [smem:$0x3FA8]  }
0x29: {  	s4 =	sld [smem:$0x3FAA]  }
0x2a: {  	p0 =	seq.s32 s5, $0x0;
	s5 =	sld [smem:$0x3FAB]  }
0x2b: {  	s6 =	sld [smem:$0x3FAC]  }
0x2c: {  	s7 =	sld [smem:$0x3FAD]  }
0x2d: {  	s3 =	simm.s32 $0x108;
	s8 =	sld [smem:$0x3FAE]  }
0x2e: {  	s3 =	simm.s32 @!p0 $0x1082;
	s9 =	sld [smem:$0x3FAF]  }
0x2f: {  	lr =	sadd.s32 s0, s3;
	s0 =	sld [smem:$0x3FA6]  }
0x30: {  	s3 =	sld [smem:$0x3FA9]  }
0x31: {  	[smem:$0x3FB2] =	sst s10  }
0x32: {  	s10 =	sld [smem:$0x3FB0];
	_ =	sdelay $0x3  }
0x33: {  	p0 =	seq.s32 s10, $0x1;
	s10 =	sld [smem:$0x3FB2];
	_ =	sdelay $0x3  }
0x34: {  	[smem:$0x3FB2] =	sst s10  }
0x35: {  	s10 =	sld [smem:$0x3FB1];
	_ =	sdelay $0x3  }
0x36: {  	p1 =	seq.s32 s10, $0x1;
	s10 =	sld [smem:$0x3FB2];
	_ =	sdelay $0x3  }
0x37: {  	[smem:$0x3FB2] =	sst s10  }
0x38: {  	s10 =	sld [smem:$0x3FB3]  }
0x39: {  	_ = 	snop;
	(pc) =	sbr.ind lr, $3  }
0x3a: {  	_ = 	snop  }
0x3b: {  	_ = 	snop  }
0x3c: {  	p2 =	seq.s32 s10, $0x1;
	s10 =	sld [smem:$0x3FB2]  }
0x3d: {  	_ =	shalt  }
0x3e: {  	_ =	shalt  }
0x3f: {  	_ =	shalt  }
0x40: {  	_ =	shalt  }
0x41: {  	_ =	shalt  }
0x42: {  	_ =	shalt  }
0x43: {  	_ =	shalt  }
0x44: {  	_ =	shalt  }
0x45: {  	_ =	shalt  }
0x46: {  	_ =	shalt  }
0x47: {  	_ =	shalt  }
0x48: {  	_ =	shalt  }
0x49: {  	_ =	shalt  }
0x4a: {  	_ =	shalt  }
0x4b: {  	_ =	shalt  }
0x4c: {  	_ =	shalt  }
0x4d: {  	_ =	shalt  }
0x4e: {  	_ =	shalt  }
0x4f: {  	_ =	shalt  }
0x50: {  	_ =	shalt  }
0x51: {  	_ =	shalt  }
0x52: {  	_ =	shalt  }
0x53: {  	_ =	shalt  }
0x54: {  	_ =	shalt  }
0x55: {  	_ =	shalt  }
0x56: {  	_ =	shalt  }
0x57: {  	_ =	shalt  }
0x58: {  	_ =	shalt  }
0x59: {  	_ =	shalt  }
0x5a: {  	_ =	shalt  }
0x5b: {  	_ =	shalt  }
0x5c: {  	_ =	shalt  }
0x5d: {  	_ =	shalt  }
0x5e: {  	_ =	shalt  }
0x5f: {  	_ =	shalt  }
0x60: {  	_ =	shalt  }
0x61: {  	_ =	shalt  }
0x62: {  	_ =	shalt  }
0x63: {  	_ =	shalt  }
0x64: {  	_ =	shalt  }
0x65: {  	_ =	shalt  }
0x66: {  	_ =	shalt  }
0x67: {  	_ =	shalt  }
0x68: {  	_ =	shalt  }
0x69: {  	_ =	shalt  }
0x6a: {  	_ =	shalt  }
0x6b: {  	_ =	shalt  }
0x6c: {  	_ =	shalt  }
0x6d: {  	_ =	shalt  }
0x6e: {  	_ =	shalt  }
0x6f: {  	_ =	shalt  }
0x70: {  	_ =	shalt  }
0x71: {  	_ =	shalt  }
0x72: {  	_ =	shalt  }
0x73: {  	_ =	shalt  }
0x74: {  	_ =	shalt  }
0x75: {  	_ =	shalt  }
0x76: {  	_ =	shalt  }
0x77: {  	_ =	shalt  }
0x78: {  	_ =	shalt  }
0x79: {  	_ =	shalt  }
0x7a: {  	_ =	shalt  }
0x7b: {  	_ =	shalt  }
0x7c: {  	_ =	shalt  }
0x7d: {  	_ =	shalt  }
0x7e: {  	_ =	shalt  }
0x7f: {  	_ =	shalt  }
0x80: {  	_ =	shalt  }
0x81: {  	_ =	shalt  }
0x82: {  	_ =	shalt  }
0x83: {  	_ =	shalt  }
0x84: {  	_ =	shalt  }
0x85: {  	_ =	shalt  }
0x86: {  	_ =	shalt  }
0x87: {  	_ =	shalt  }
.Lfunc_end0:
.L_simem_size_0:
called_computation_lowered:
.L_overlay_start_0:
0x88: {  	s2 =	sld [smem:$0x3FD9]  }
0x89: {  	s3 =	sld [smem:$0x3FFE];
	_ =	sdelay $0x1  }
0x8a: {  	s1 =	srdreg.scid  }
0x8b: {  	s0 =	sand.u32 $0x1, s1  }
0x8c: {  	s17 =	sshll.u32 s0, $0xA;
	s2 =	sadd.s32 s3, s2  }
0x8d: {  	s2 =	sadd.s32 s2, s17  }
0x8e: {  	[smem:$0x3FBE] =	sst s2  }
0x8f: {  	_ = 	snop  }
0x90: {  	s2 =	sld [smem:$0x3FC9]  }
0x91: {  	s18 =	sld [smem:$0x3FC8];
	(tm) =	ssettm $0x1  }
0x92: {  	s4 =	sld [smem:$0x3FFB];
	_ =	sdelay $0x3  }
0x93: {  	_ =	strace s4  }
0x94: {  	s4 =	sld [smem:$0x3FFC];
	_ =	sdelay $0x3  }
0x95: {  	_ =	strace s4  }
0x96: {  	s4 =	sld [smem:$0x3FFD];
	_ =	sdelay $0x3  }
0x97: {  	_ =	strace s4  }
0x98: {  	_ =	strace $0x8FFFFFFF  }
0x99: {  	s19 =	sld [smem:$0x3FDB];
	_ =	sdelay $0x1  }
0x9a: {  	s5 =	simm.s32 $_scs_section_size  }
0x9b: {  	s6 =	simm.s32 $_size__tile_overlayer_lowered;
	s7 =	simm.s32 $_tile_overlayer_lowered  }
0x9c: {  	s22 =	simm.s32 $0x1BFF;
	s21 =	sshll.u32 s7, $0x1;
	s4 =	sadd.s32 s5, s19  }
0x9d: {  	s8 =	simm.s32 $0x0;
	s20 =	sshll.u32 s6, $0x1;
	s6 =	sadd.s32 s21, s4  }
0x9e: {  	[timem:s8], [sflag:s22] =	dma.local [hbm:s6], s20  }
0x9f: {  	_ =	swait.ge [sflag:s22], s20  }
0xa0: {  	s5 =	ssub.s32 $0x0, s20;
	[sflag:s22] =	ssyncset.done $0x0  }
0xa1: {  	[sflag:s22] =	ssyncadd.s32 s5;
	_ =	sdelay $0x1  }
0xa2: {  	s23 =	simm.s32 $0x1B8B  }
0xa3: {  	_ =	swait.ge [sflag:s23], $0x1  }
0xa4: {  	[sflag:s23] =	ssyncset.done $0x0  }
0xa5: {  	s25 =	simm.s32 $0x1B8E;
	s24 =	sld [smem:$0x3FFE];
	[sflag:s23] =	ssyncadd.s32 $0xFFFFFFFF  }
0xa6: {  	s26 =	simm.s32 $execute0_lowered;
	[smem:$0x3FD2] =	sst s25  }
0xa7: {  	s6 =	sshll.u32 s26, $0x1;
	_ =	strace $0x80000046;
	[dreg:$0x1] =	wrdreg $0xFFFFFFFF  }
0xa8: {  	s28 =	simm.s32 $_size_execute0_lowered;
	s4 =	sadd.s32 s4, s6;
	[dreg:$0x0] =	wrdreg $0x0  }
0xa9: {  	s6 =	sshll.u32 s28, $0x1;
	[dreg:$0x2] =	wrdreg s4  }
0xaa: {  	[dreg:$0x3] =	wrdreg s6  }
0xab: {  	[dreg:$0x4] =	wrdreg $0xC0  }
0xac: {  	_ =	task [dreg:s8], $0x5FFFF  }
0xad: {  	[dreg:$0x1] =	wrdreg $0xFFFFFFFF  }
0xae: {  	[dreg:$0x0] =	wrdreg $0x60  }
0xaf: {  	[dreg:$0x2] =	wrdreg s24  }
0xb0: {  	[dreg:$0x3] =	wrdreg s2  }
0xb1: {  	[dreg:$0x4] =	wrdreg s18  }
0xb2: {  	[dreg:$0x5] =	wrdreg $0x9  }
0xb3: {  	_ =	task.clear_ibuf [dreg:s8], $0x6FFFF;
	_ =	strace $0x90000046  }
0xb4: {  	s29 =	simm.s32 $0x9;
	_ =	strace $0x80000048  }
0xb5: {  	_ =	swait.ge [sflag:s29], $0x1  }
0xb6: {  	[sflag:s29] =	ssyncadd.s32 $0xFFFFFFFF  }
0xb7: {  	_ =	strace $0x90000048  }
0xb8: {  	_ =	sfence  }
0xb9: {  	s30 =	sld [smem:$0x0];
	_ =	sdelay $0x2  }
0xba: {  	s31 =	sshll.u32 s1, $0xD;
	s1 =	sshrl.u32 s1, $0x2  }
0xbb: {  	s3 =	sand.u32 $0x4000, s31;
	s1 =	sadd.s32 s1, s30  }
0xbc: {  	s0 =	sor.u32 s3, s0;
	s1 =	sshll.u32 s1, $0x11  }
0xbd: {  	s0 =	sor.u32 s1, s0  }
0xbe: {  	s0 =	sadd.s32 $0x8F2B, s0  }
0xbf: {  	[sflag:s0] =	ssyncadd.remote.s32 $0x1  }
0xc0: {  	_ =	sfence.sel $0xFFFF  }
0xc1: {  	[dreg:$0x0] =	wrdreg $0xFFFFFFFF;
	(pc) =	sbr.abs _section_cstart, $3  }
0xc2: {  	[dreg:$0x1] =	wrdreg $0xFFFFFFFF  }
0xc3: {  	_ =	task.clear_ibuf [dreg:s8], $0x2FFFF;
	_ =	strace $0x9FFFFFFF  }
0xc4: {  	(tm) =	ssettm $0x7FFFFFFF  }
0xc5: {  	_ =	shalt  }
tec
execute0_lowered:
.L_overlay_start_1:
0x0: {  	(tag) =	ssettag $0x1  }
0x1: {  	s0 =	rddreg [dreg:$0x0]  }
0x2: {  	s1 =	rddreg [dreg:$0x1]  }
0x3: {  	s2 =	rddreg [dreg:$0x2]  }
0x4: {  	s7 =	simm.s32 $0x0;
	s3 =	srdreg.scid;
	s5 =	stileid.u32  }
0x5: {  	s14 =	simm.s32 $0x800;
	s8 =	simm.s32 $0x480;
	s9 =	simm.s32 $0x4800  }
0x6: {  	s10 =	simm.s32 $0x500;
	s11 =	simm.s32 $0x8800;
	s12 =	simm.s32 $0x580  }
0x7: {  	s13 =	simm.s32 $0xC800;
	[smem:$0x7FF] =	sst s7;
	s3 =	sand.u32 $0x1, s3  }
0x8: {  	s6 =	sadd.s32 $0x1A00, s0;
	s25 =	sadd.s32 $0x3E1A00, s0;
	s4 =	sshll.u32 s3, $0x4  }
0x9: {  	_ =	strace $0x80000047;
	[dreg:$0x5] =	wrdreg s6;
	s4 =	sor.u32 s5, s4  }
0xa: {  	s3 =	ssub.s32 $0x2, s3;
	s26 =	sshll.u32 s4, $0xB;
	s4 =	sshll.u32 s4, $0x6  }
0xb: {  	[dreg:$0x6] =	wrdreg s25;
	s28 =	sshrl.u32 s3, $0x1;
	s1 =	sadd.s32 s1, s4  }
0xc: {  	s3 =	ssub.s32 s3, s28;
	s29 =	sadd.s32 s2, s4;
	[dreg:$0x7] =	wrdreg s1  }
0xd: {  	s0 =	sadd.s32 s26, s0;
	s31 =	smax.u32 s3, $0x1;
	[dreg:$0x8] =	wrdreg s29  }
0xe: {  	s3 =	simm.s32 $0x80;
	s30 =	sadd.s32 $0x451A00, s0;
	[dreg:$0xb] =	wrdreg s31  }
0xf: {  	s4 =	simm.s32 $0x400;
	s0 =	sadd.s32 $0x461A00, s0;
	[dreg:$0x9] =	wrdreg s30  }
0x10: {  	v0 =	vlaneseq.u32;
	s2 =	simm.s32 $0x0;
	s1 =	simm.s32 $0x3;
	[dreg:$0xa] =	wrdreg s0  }
.LBB2_1:
0x11: {  	[dreg:$0xc] =	wrdreg s2  }
0x12: {  	s0 =	rddreg [dreg:$0x7]  }
0x13: {  	[tilespmem:s7], [sflag:$0x3] =	stream.linear.gather [hbm4b:s0+s7], $0x200, $0x38;
	[tilespmem:$0x18800] =	vst v63  }
0x14: {  	_ =	swait.ge [sflag:s1], $0x200  }
0x15: {  	[sflag:s1] =	ssyncset.done $0x0  }
0x16: {  	s31 =	simm.s32 $0x200;
	s30 =	rddreg [dreg:$0x8];
	[sflag:s1] =	ssyncadd.s32 $0xFFFFFE00  }
0x17: {  	[tilespmem:s31], [sflag:$0x3] =	stream.linear.gather [hbm4b:s30+s7], $0x200, $0x38;
	[tilespmem:$0x18800] =	vst v63  }
0x18: {  	_ =	swait.ge [sflag:s1], $0x200  }
0x19: {  	[sflag:s1] =	ssyncset.done $0x0  }
0x1a: {  	s0 =	simm.s32 $0x0;
	[sflag:s1] =	ssyncadd.s32 $0xFFFFFE00  }
0x1b: {  	v1 =	vld [tilespmem:s0+$0x0]  }
0x1c: {  	s1 =	simm.s32 $0x40  }
.LBB2_2:
0x1d: {  	_ = 	snop  }
0x1e: {  	p0 =	sne.s32 s1, $0x7C0  }
.Ltmp0:
0x1f: {  	_ = 	snop;
	(pc) =	sbr.rel @p0 .LBB2_2-.Ltmp0, $4  }
0x20: {  	v2 =	vshrl.u32 v1, $0x2;
	v3 =	vshrl.u32 v1, $0xC  }
0x21: {  	s2 =	sshra.s32 s1, $0x2;
	v4 =	vand.u32 $0xFFF, v1;
	v2 =	vand.u32 $0x3FFFF000, v2;
	v3 =	vand.u32 $0x3, v3  }
0x22: {  	v1 =	vld [tilespmem:s2+$0x0];
	v2 =	vor.u32 v4, v2;
	[tilespmem:s0+$0x600] =	vst v3  }
0x23: {  	s1 =	sadd.s32 $0x40, s1;
	[tilespmem:s0+$0x400] =	vst v2;
	s0 =	smov.u32 s2  }
0x24: {  	_ =	sdelay $0x2  }
0x25: {  	v2 =	vshrl.u32 v1, $0x2;
	v3 =	vshrl.u32 v1, $0xC  }
0x26: {  	v1 =	vand.u32 $0xFFF, v1;
	v2 =	vand.u32 $0x3FFFF000, v2;
	v3 =	vand.u32 $0x3, v3  }
0x27: {  	v1 =	vor.u32 v1, v2;
	[tilespmem:s0+$0x600] =	vst v3  }
0x28: {  	s30 =	rddreg [dreg:$0x5];
	[tilespmem:s0+$0x400] =	vst v1  }
0x29: {  	[tilespmem:s14], [sflag:$0x1] =	stream.indirect.gather [hbm4b:s30+s3], $0x80, s4, s3, $0xb8;
	[tilespmem:$0x18800] =	vst v63  }
0x2a: {  	_ = 	snop  }
0x2b: {  	[tilespmem:s9], [sflag:$0x1] =	stream.indirect.gather [hbm4b:s30+s3], $0x80, s8, s3, $0xb8;
	[tilespmem:$0x18800] =	vst v63  }
0x2c: {  	_ = 	snop  }
0x2d: {  	[tilespmem:s11], [sflag:$0x1] =	stream.indirect.gather [hbm4b:s30+s3], $0x80, s10, s3, $0xb8;
	[tilespmem:$0x18800] =	vst v63  }
0x2e: {  	s31 =	simm.s32 $0x1  }
0x2f: {  	[tilespmem:s13], [sflag:$0x1] =	stream.indirect.gather [hbm4b:s30+s3], $0x80, s12, s3, $0xb8;
	[tilespmem:$0x18800] =	vst v63  }
0x30: {  	_ =	swait.ge [sflag:s31], $0x4000  }
0x31: {  	[sflag:s31] =	ssyncset.done $0x0  }
0x32: {  	[sflag:s31] =	ssyncadd.s32 $0xFFFFC000  }
0x33: {  	_ =	swait.ge [sflag:s31], $0x4000  }
0x34: {  	[sflag:s31] =	ssyncset.done $0x0  }
0x35: {  	[sflag:s31] =	ssyncadd.s32 $0xFFFFC000  }
0x36: {  	_ =	swait.ge [sflag:s31], $0x4000  }
0x37: {  	[sflag:s31] =	ssyncset.done $0x0  }
0x38: {  	[sflag:s31] =	ssyncadd.s32 $0xFFFFC000  }
0x39: {  	_ =	swait.ge [sflag:s31], $0x4000  }
0x3a: {  	s2 =	simm.s32 $0x600;
	[sflag:s31] =	ssyncset.done $0x0  }
0x3b: {  	s5 =	simm.s32 $0x10900;
	s0 =	simm.s32 $0xF;
	[sflag:s31] =	ssyncadd.s32 $0xFFFFC000  }
.LBB2_4:
0x3c: {  	v1 =	vld [tilespmem:s2+$0x0];
	_ =	sdelay $0x4  }
0x3d: {  	v1 =	vshll.u32 v1, $0x5  }
0x3e: {  	(v2sf) =	vpush v1, $0x0;
	_ =	sdelay $0x7  }
0x3f: {  	s6 =	sshll.u32 s0, $0x7  }
0x40: {  	s1 =	sadd.s32 $0xFFFFF880, s6;
	v2 =	vbroadcast v1, $0x0  }
0x41: {  	v3 =	vor.u32 s1, v0  }
0x42: {  	v2 =	vadd.s32 v2, v3  }
0x43: {  	(v2sf) =	vpush v1, $0x1;
	_ =	sdelay $0x2  }
0x44: {  	s18 =	spop (v2sf)  }
0x45: {  	v2 =	vld.idx.msk [tilespmem:v2+s14+$0x0], $0xffff;
	s1 =	sor.u32 $0x10, s18  }
0x46: {  	v3 =	vadd.s32 s1, v3;
	_ =	sdelay $0x3  }
0x47: {  	s19 =	sadd.s32 $0xFFFFF900, s6;
	[tilespmem:s5+$0xFFFFFF00] =	vst v2;
	v2 =	vbroadcast v1, $0x1  }
0x48: {  	v4 =	vor.u32 s19, v0;
	v3 =	vld.idx.msk [tilespmem:v3+s14+$0x0], $0xffff  }
0x49: {  	v2 =	vadd.s32 v2, v4  }
0x4a: {  	(v2sf) =	vpush v1, $0x2;
	_ =	sdelay $0x2  }
0x4b: {  	s20 =	spop (v2sf);
	[tilespmem:s5+$0xFFFFFF10] =	vst v3  }
0x4c: {  	s1 =	sor.u32 $0x10, s20;
	v2 =	vld.idx.msk [tilespmem:v2+s14+$0x0], $0xffff  }
0x4d: {  	v3 =	vadd.s32 s1, v4;
	_ =	sdelay $0x3  }
0x4e: {  	s21 =	sadd.s32 $0xFFFFF980, s6;
	[tilespmem:s5+$0xFFFFFF20] =	vst v2;
	v2 =	vbroadcast v1, $0x2  }
0x4f: {  	v52 =	vor.u32 s21, v0;
	v3 =	vld.idx.msk [tilespmem:v3+s14+$0x0], $0xffff  }
0x50: {  	v2 =	vadd.s32 v2, v52  }
0x51: {  	(v2sf) =	vpush v1, $0x3;
	_ =	sdelay $0x2  }
0x52: {  	s22 =	spop (v2sf);
	[tilespmem:s5+$0xFFFFFF30] =	vst v3  }
0x53: {  	s1 =	sor.u32 $0x10, s22;
	v2 =	vld.idx.msk [tilespmem:v2+s14+$0x0], $0xffff  }
0x54: {  	v3 =	vadd.s32 s1, v52;
	_ =	sdelay $0x3  }
0x55: {  	s23 =	sadd.s32 $0xFFFFFA00, s6;
	[tilespmem:s5+$0xFFFFFF40] =	vst v2;
	v2 =	vbroadcast v1, $0x3  }
0x56: {  	v53 =	vor.u32 s23, v0;
	v3 =	vld.idx.msk [tilespmem:v3+s14+$0x0], $0xffff  }
0x57: {  	v2 =	vadd.s32 v2, v53  }
0x58: {  	(v2sf) =	vpush v1, $0x4;
	_ =	sdelay $0x2  }
0x59: {  	s24 =	spop (v2sf);
	[tilespmem:s5+$0xFFFFFF50] =	vst v3  }
0x5a: {  	s1 =	sor.u32 $0x10, s24;
	v2 =	vld.idx.msk [tilespmem:v2+s14+$0x0], $0xffff  }
0x5b: {  	v3 =	vadd.s32 s1, v53;
	_ =	sdelay $0x3  }
0x5c: {  	s25 =	sadd.s32 $0xFFFFFA80, s6;
	[tilespmem:s5+$0xFFFFFF60] =	vst v2;
	v2 =	vbroadcast v1, $0x4  }
0x5d: {  	v54 =	vor.u32 s25, v0;
	v3 =	vld.idx.msk [tilespmem:v3+s14+$0x0], $0xffff  }
0x5e: {  	v2 =	vadd.s32 v2, v54  }
0x5f: {  	(v2sf) =	vpush v1, $0x5;
	_ =	sdelay $0x2  }
0x60: {  	s26 =	spop (v2sf);
	[tilespmem:s5+$0xFFFFFF70] =	vst v3  }
0x61: {  	s1 =	sor.u32 $0x10, s26;
	v2 =	vld.idx.msk [tilespmem:v2+s14+$0x0], $0xffff  }
0x62: {  	v3 =	vadd.s32 s1, v54;
	_ =	sdelay $0x3  }
0x63: {  	s28 =	sadd.s32 $0xFFFFFB00, s6;
	[tilespmem:s5+$0xFFFFFF80] =	vst v2;
	v2 =	vbroadcast v1, $0x5  }
0x64: {  	v55 =	vor.u32 s28, v0;
	v3 =	vld.idx.msk [tilespmem:v3+s14+$0x0], $0xffff  }
0x65: {  	v2 =	vadd.s32 v2, v55  }
0x66: {  	(v2sf) =	vpush v1, $0x6;
	_ =	sdelay $0x2  }
0x67: {  	s29 =	spop (v2sf);
	[tilespmem:s5+$0xFFFFFF90] =	vst v3  }
0x68: {  	s1 =	sor.u32 $0x10, s29;
	v2 =	vld.idx.msk [tilespmem:v2+s14+$0x0], $0xffff  }
0x69: {  	v3 =	vadd.s32 s1, v55;
	_ =	sdelay $0x3  }
0x6a: {  	s30 =	sadd.s32 $0xFFFFFB80, s6;
	[tilespmem:s5+$0xFFFFFFA0] =	vst v2;
	v2 =	vbroadcast v1, $0x6  }
0x6b: {  	v56 =	vor.u32 s30, v0;
	v3 =	vld.idx.msk [tilespmem:v3+s14+$0x0], $0xffff  }
0x6c: {  	v2 =	vadd.s32 v2, v56  }
0x6d: {  	(v2sf) =	vpush v1, $0x7;
	_ =	sdelay $0x2  }
0x6e: {  	s31 =	spop (v2sf);
	[tilespmem:s5+$0xFFFFFFB0] =	vst v3  }
0x6f: {  	s1 =	sor.u32 $0x10, s31;
	v2 =	vld.idx.msk [tilespmem:v2+s14+$0x0], $0xffff  }
0x70: {  	v3 =	vadd.s32 s1, v56;
	_ =	sdelay $0x3  }
0x71: {  	s7 =	sadd.s32 $0xFFFFFC00, s6;
	[tilespmem:s5+$0xFFFFFFC0] =	vst v2;
	v2 =	vbroadcast v1, $0x7  }
0x72: {  	v57 =	vor.u32 s7, v0;
	v3 =	vld.idx.msk [tilespmem:v3+s14+$0x0], $0xffff  }
0x73: {  	v2 =	vadd.s32 v2, v57  }
0x74: {  	(v2sf) =	vpush v1, $0x8;
	_ =	sdelay $0x2  }
0x75: {  	s15 =	spop (v2sf);
	[tilespmem:s5+$0xFFFFFFD0] =	vst v3  }
0x76: {  	s1 =	sor.u32 $0x10, s15;
	v2 =	vld.idx.msk [tilespmem:v2+s14+$0x0], $0xffff  }
0x77: {  	v3 =	vadd.s32 s1, v57;
	_ =	sdelay $0x3  }
0x78: {  	s16 =	sadd.s32 $0xFFFFFC80, s6;
	[tilespmem:s5+$0xFFFFFFE0] =	vst v2;
	v2 =	vbroadcast v1, $0x8  }
0x79: {  	v58 =	vor.u32 s16, v0;
	v3 =	vld.idx.msk [tilespmem:v3+s14+$0x0], $0xffff  }
0x7a: {  	v2 =	vadd.s32 v2, v58  }
0x7b: {  	(v2sf) =	vpush v1, $0x9;
	_ =	sdelay $0x2  }
0x7c: {  	s17 =	spop (v2sf);
	[tilespmem:s5+$0xFFFFFFF0] =	vst v3  }
0x7d: {  	s1 =	sor.u32 $0x10, s17;
	v2 =	vld.idx.msk [tilespmem:v2+s14+$0x0], $0xffff  }
0x7e: {  	v3 =	vadd.s32 s1, v58;
	_ =	sdelay $0x3  }
0x7f: {  	s18 =	sadd.s32 $0xFFFFFD00, s6;
	[tilespmem:s5+$0x0] =	vst v2;
	v2 =	vbroadcast v1, $0x9  }
0x80: {  	v59 =	vor.u32 s18, v0;
	v3 =	vld.idx.msk [tilespmem:v3+s14+$0x0], $0xffff  }
0x81: {  	v2 =	vadd.s32 v2, v59  }
0x82: {  	(v2sf) =	vpush v1, $0xA;
	_ =	sdelay $0x2  }
0x83: {  	s19 =	spop (v2sf);
	[tilespmem:s5+$0x10] =	vst v3  }
0x84: {  	s1 =	sor.u32 $0x10, s19;
	v2 =	vld.idx.msk [tilespmem:v2+s14+$0x0], $0xffff  }
0x85: {  	v3 =	vadd.s32 s1, v59;
	_ =	sdelay $0x3  }
0x86: {  	s20 =	sadd.s32 $0xFFFFFD80, s6;
	[tilespmem:s5+$0x20] =	vst v2;
	v2 =	vbroadcast v1, $0xA  }
0x87: {  	v60 =	vor.u32 s20, v0;
	v3 =	vld.idx.msk [tilespmem:v3+s14+$0x0], $0xffff  }
0x88: {  	v2 =	vadd.s32 v2, v60  }
0x89: {  	(v2sf) =	vpush v1, $0xB;
	_ =	sdelay $0x2  }
0x8a: {  	s21 =	spop (v2sf);
	[tilespmem:s5+$0x30] =	vst v3  }
0x8b: {  	s1 =	sor.u32 $0x10, s21;
	v2 =	vld.idx.msk [tilespmem:v2+s14+$0x0], $0xffff  }
0x8c: {  	v3 =	vadd.s32 s1, v60;
	_ =	sdelay $0x3  }
0x8d: {  	s22 =	sadd.s32 $0xFFFFFE00, s6;
	[tilespmem:s5+$0x40] =	vst v2;
	v2 =	vbroadcast v1, $0xB  }
0x8e: {  	v61 =	vor.u32 s22, v0;
	v3 =	vld.idx.msk [tilespmem:v3+s14+$0x0], $0xffff  }
0x8f: {  	v2 =	vadd.s32 v2, v61  }
0x90: {  	(v2sf) =	vpush v1, $0xC;
	_ =	sdelay $0x2  }
0x91: {  	s23 =	spop (v2sf);
	[tilespmem:s5+$0x50] =	vst v3  }
0x92: {  	s1 =	sor.u32 $0x10, s23;
	v2 =	vld.idx.msk [tilespmem:v2+s14+$0x0], $0xffff  }
0x93: {  	v3 =	vadd.s32 s1, v61;
	_ =	sdelay $0x3  }
0x94: {  	s24 =	sadd.s32 $0xFFFFFE80, s6;
	[tilespmem:s5+$0x60] =	vst v2;
	v2 =	vbroadcast v1, $0xC  }
0x95: {  	v62 =	vor.u32 s24, v0;
	v3 =	vld.idx.msk [tilespmem:v3+s14+$0x0], $0xffff  }
0x96: {  	v2 =	vadd.s32 v2, v62  }
0x97: {  	(v2sf) =	vpush v1, $0xD;
	_ =	sdelay $0x2  }
0x98: {  	s25 =	spop (v2sf);
	[tilespmem:s5+$0x70] =	vst v3  }
0x99: {  	s1 =	sor.u32 $0x10, s25;
	v2 =	vld.idx.msk [tilespmem:v2+s14+$0x0], $0xffff  }
0x9a: {  	v3 =	vadd.s32 s1, v62;
	_ =	sdelay $0x3  }
0x9b: {  	s26 =	sadd.s32 $0xFFFFFF00, s6;
	[tilespmem:s5+$0x80] =	vst v2;
	v2 =	vbroadcast v1, $0xD  }
0x9c: {  	v63 =	vor.u32 s26, v0;
	v3 =	vld.idx.msk [tilespmem:v3+s14+$0x0], $0xffff  }
0x9d: {  	v2 =	vadd.s32 v2, v63  }
0x9e: {  	(v2sf) =	vpush v1, $0xE;
	_ =	sdelay $0x2  }
0x9f: {  	s28 =	spop (v2sf);
	[tilespmem:s5+$0x90] =	vst v3  }
0xa0: {  	s1 =	sor.u32 $0x10, s28;
	v2 =	vld.idx.msk [tilespmem:v2+s14+$0x0], $0xffff  }
0xa1: {  	v3 =	vadd.s32 s1, v63;
	_ =	sdelay $0x1  }
0xa2: {  	(v2sf) =	vpush v1, $0xF;
	_ =	sdelay $0x1  }
0xa3: {  	s29 =	sadd.s32 $0xFFFFFF80, s6;
	v1 =	vbroadcast v1, $0xE;
	[tilespmem:s5+$0xA0] =	vst v2  }
0xa4: {  	v2 =	vld.idx.msk [tilespmem:v3+s14+$0x0], $0xffff;
	v3 =	vor.u32 s29, v0  }
0xa5: {  	v1 =	vadd.s32 v1, v3;
	_ =	sdelay $0x3  }
0xa6: {  	s30 =	spop (v2sf);
	[tilespmem:s5+$0xB0] =	vst v2  }
0xa7: {  	s1 =	sor.u32 $0x10, s30;
	v1 =	vld.idx.msk [tilespmem:v1+s14+$0x0], $0xffff  }
0xa8: {  	v2 =	vadd.s32 s1, v3;
	_ =	sdelay $0x3  }
0xa9: {  	[tilespmem:s5+$0xC0] =	vst v1  }
0xaa: {  	s31 =	spop (v2sf);
	v1 =	vld.idx.msk [tilespmem:v2+s14+$0x0], $0xffff;
	v2 =	vor.u32 s6, v0  }
0xab: {  	v3 =	vadd.s32 s31, v2;
	_ =	sdelay $0x3  }
0xac: {  	[tilespmem:s5+$0xD0] =	vst v1  }
0xad: {  	s1 =	sor.u32 $0x10, s31;
	v1 =	vld.idx.msk [tilespmem:v3+s14+$0x0], $0xffff  }
0xae: {  	v2 =	vadd.s32 s1, v2;
	_ =	sdelay $0x3  }
0xaf: {  	[tilespmem:s5+$0xE0] =	vst v1  }
0xb0: {  	p0 =	sne.s32 s0, $0x1FF;
	v1 =	vld.idx.msk [tilespmem:v2+s14+$0x0], $0xffff  }
.Ltmp1:
0xb1: {  	_ = 	snop;
	(pc) =	sbr.rel @p0 .LBB2_4-.Ltmp1, $2  }
0xb2: {  	_ =	sdelay $0x2  }
0xb3: {  	s2 =	sadd.s32 $0x10, s2;
	s0 =	sadd.s32 $0x10, s0;
	[tilespmem:s5+$0xF0] =	vst v1;
	s5 =	sadd.s32 $0x200, s5  }
0xb4: {  	s0 =	simm.s32 $0x0  }
0xb5: {  	v1 =	vld [tilespmem:s0+$0x200]  }
0xb6: {  	s1 =	simm.s32 $0x40  }
.LBB2_6:
0xb7: {  	_ = 	snop  }
0xb8: {  	p0 =	sne.s32 s1, $0x7C0  }
.Ltmp2:
0xb9: {  	_ = 	snop;
	(pc) =	sbr.rel @p0 .LBB2_6-.Ltmp2, $4  }
0xba: {  	v2 =	vshrl.u32 v1, $0x2;
	v3 =	vshrl.u32 v1, $0xC  }
0xbb: {  	s2 =	sshra.s32 s1, $0x2;
	v4 =	vand.u32 $0xFFF, v1;
	v2 =	vand.u32 $0x3FFFF000, v2;
	v3 =	vand.u32 $0x3, v3  }
0xbc: {  	v1 =	vld [tilespmem:s2+$0x200];
	v2 =	vor.u32 v4, v2;
	[tilespmem:s0+$0x600] =	vst v3  }
0xbd: {  	s1 =	sadd.s32 $0x40, s1;
	[tilespmem:s0+$0x400] =	vst v2;
	s0 =	smov.u32 s2  }
0xbe: {  	_ =	sdelay $0x2  }
0xbf: {  	v2 =	vshrl.u32 v1, $0x2;
	v3 =	vshrl.u32 v1, $0xC  }
0xc0: {  	v1 =	vand.u32 $0xFFF, v1;
	v2 =	vand.u32 $0x3FFFF000, v2;
	v3 =	vand.u32 $0x3, v3  }
0xc1: {  	v1 =	vor.u32 v1, v2;
	[tilespmem:s0+$0x600] =	vst v3  }
0xc2: {  	s20 =	rddreg [dreg:$0x6];
	[tilespmem:s0+$0x400] =	vst v1  }
0xc3: {  	[tilespmem:s14], [sflag:$0x2] =	stream.indirect.gather [hbm4b:s20+s3], $0x80, s4, s3, $0xb8;
	[tilespmem:$0x18800] =	vst v63  }
0xc4: {  	_ = 	snop  }
0xc5: {  	[tilespmem:s9], [sflag:$0x2] =	stream.indirect.gather [hbm4b:s20+s3], $0x80, s8, s3, $0xb8;
	[tilespmem:$0x18800] =	vst v63  }
0xc6: {  	_ = 	snop  }
0xc7: {  	[tilespmem:s11], [sflag:$0x2] =	stream.indirect.gather [hbm4b:s20+s3], $0x80, s10, s3, $0xb8;
	[tilespmem:$0x18800] =	vst v63  }
0xc8: {  	s21 =	simm.s32 $0x2  }
0xc9: {  	[tilespmem:s13], [sflag:$0x2] =	stream.indirect.gather [hbm4b:s20+s3], $0x80, s12, s3, $0xb8;
	[tilespmem:$0x18800] =	vst v63  }
0xca: {  	_ =	swait.ge [sflag:s21], $0x4000  }
0xcb: {  	[sflag:s21] =	ssyncset.done $0x0  }
0xcc: {  	[sflag:s21] =	ssyncadd.s32 $0xFFFFC000  }
0xcd: {  	_ =	swait.ge [sflag:s21], $0x4000  }
0xce: {  	[sflag:s21] =	ssyncset.done $0x0  }
0xcf: {  	[sflag:s21] =	ssyncadd.s32 $0xFFFFC000  }
0xd0: {  	_ =	swait.ge [sflag:s21], $0x4000  }
0xd1: {  	[sflag:s21] =	ssyncset.done $0x0  }
0xd2: {  	[sflag:s21] =	ssyncadd.s32 $0xFFFFC000  }
0xd3: {  	_ =	swait.ge [sflag:s21], $0x4000  }
0xd4: {  	[sflag:s21] =	ssyncset.done $0x0  }
0xd5: {  	s26 =	simm.s32 $0x600;
	[sflag:s21] =	ssyncadd.s32 $0xFFFFC000  }
0xd6: {  	v1 =	vld [tilespmem:s26+$0x0];
	_ =	sdelay $0x4  }
0xd7: {  	v1 =	vshll.u32 v1, $0x5  }
0xd8: {  	(v2sf) =	vpush v1, $0x0;
	_ =	sdelay $0x8  }
0xd9: {  	s22 =	simm.s32 $0x0;
	v2 =	vbroadcast v1, $0x0  }
0xda: {  	v3 =	vor.u32 s22, v0  }
0xdb: {  	v2 =	vadd.s32 v2, v3  }
0xdc: {  	(v2sf) =	vpush v1, $0x1;
	_ =	sdelay $0x2  }
0xdd: {  	s23 =	spop (v2sf)  }
0xde: {  	v2 =	vld.idx.msk [tilespmem:v2+s14+$0x0], $0xffff;
	s0 =	sor.u32 $0x10, s23  }
0xdf: {  	v3 =	vadd.s32 s0, v3;
	_ =	sdelay $0x2  }
0xe0: {  	s28 =	simm.s32 $0x14900  }
0xe1: {  	s24 =	simm.s32 $0x80;
	v4 =	vbroadcast v1, $0x1;
	[tilespmem:s28+$0xFFFFFF00] =	vst v2  }
0xe2: {  	v2 =	vld.idx.msk [tilespmem:v3+s14+$0x0], $0xffff;
	v3 =	vor.u32 s24, v0  }
0xe3: {  	v4 =	vadd.s32 v4, v3  }
0xe4: {  	(v2sf) =	vpush v1, $0x2;
	_ =	sdelay $0x2  }
0xe5: {  	s25 =	spop (v2sf);
	[tilespmem:s28+$0xFFFFFF10] =	vst v2  }
0xe6: {  	s0 =	sor.u32 $0x10, s25;
	v2 =	vld.idx.msk [tilespmem:v4+s14+$0x0], $0xffff  }
0xe7: {  	v3 =	vadd.s32 s0, v3;
	_ =	sdelay $0x3  }
0xe8: {  	s30 =	simm.s32 $0x100;
	v52 =	vbroadcast v1, $0x2;
	[tilespmem:s28+$0xFFFFFF20] =	vst v2  }
0xe9: {  	v2 =	vld.idx.msk [tilespmem:v3+s14+$0x0], $0xffff;
	v3 =	vor.u32 s30, v0  }
0xea: {  	v4 =	vadd.s32 v52, v3  }
0xeb: {  	(v2sf) =	vpush v1, $0x3;
	_ =	sdelay $0x2  }
0xec: {  	s31 =	spop (v2sf);
	[tilespmem:s28+$0xFFFFFF30] =	vst v2  }
0xed: {  	s0 =	sor.u32 $0x10, s31;
	v2 =	vld.idx.msk [tilespmem:v4+s14+$0x0], $0xffff  }
0xee: {  	v3 =	vadd.s32 s0, v3;
	_ =	sdelay $0x3  }
0xef: {  	s1 =	simm.s32 $0x180;
	v53 =	vbroadcast v1, $0x3;
	[tilespmem:s28+$0xFFFFFF40] =	vst v2  }
0xf0: {  	v2 =	vld.idx.msk [tilespmem:v3+s14+$0x0], $0xffff;
	v3 =	vor.u32 s1, v0  }
0xf1: {  	v4 =	vadd.s32 v53, v3  }
0xf2: {  	(v2sf) =	vpush v1, $0x4;
	_ =	sdelay $0x2  }
0xf3: {  	s2 =	spop (v2sf);
	[tilespmem:s28+$0xFFFFFF50] =	vst v2  }
0xf4: {  	s0 =	sor.u32 $0x10, s2;
	v2 =	vld.idx.msk [tilespmem:v4+s14+$0x0], $0xffff  }
0xf5: {  	v3 =	vadd.s32 s0, v3;
	_ =	sdelay $0x3  }
0xf6: {  	s3 =	simm.s32 $0x200;
	v54 =	vbroadcast v1, $0x4;
	[tilespmem:s28+$0xFFFFFF60] =	vst v2  }
0xf7: {  	v2 =	vld.idx.msk [tilespmem:v3+s14+$0x0], $0xffff;
	v3 =	vor.u32 s3, v0  }
0xf8: {  	v4 =	vadd.s32 v54, v3  }
0xf9: {  	(v2sf) =	vpush v1, $0x5;
	_ =	sdelay $0x2  }
0xfa: {  	s4 =	spop (v2sf);
	[tilespmem:s28+$0xFFFFFF70] =	vst v2  }
0xfb: {  	s0 =	sor.u32 $0x10, s4;
	v2 =	vld.idx.msk [tilespmem:v4+s14+$0x0], $0xffff  }
0xfc: {  	v3 =	vadd.s32 s0, v3;
	_ =	sdelay $0x3  }
0xfd: {  	s5 =	simm.s32 $0x280;
	v55 =	vbroadcast v1, $0x5;
	[tilespmem:s28+$0xFFFFFF80] =	vst v2  }
0xfe: {  	v2 =	vld.idx.msk [tilespmem:v3+s14+$0x0], $0xffff;
	v3 =	vor.u32 s5, v0  }
0xff: {  	v4 =	vadd.s32 v55, v3  }
0x100: {  	(v2sf) =	vpush v1, $0x6;
	_ =	sdelay $0x2  }
0x101: {  	s6 =	spop (v2sf);
	[tilespmem:s28+$0xFFFFFF90] =	vst v2  }
0x102: {  	s0 =	sor.u32 $0x10, s6;
	v2 =	vld.idx.msk [tilespmem:v4+s14+$0x0], $0xffff  }
0x103: {  	v3 =	vadd.s32 s0, v3;
	_ =	sdelay $0x3  }
0x104: {  	s7 =	simm.s32 $0x300;
	v56 =	vbroadcast v1, $0x6;
	[tilespmem:s28+$0xFFFFFFA0] =	vst v2  }
0x105: {  	v2 =	vld.idx.msk [tilespmem:v3+s14+$0x0], $0xffff;
	v3 =	vor.u32 s7, v0  }
0x106: {  	v4 =	vadd.s32 v56, v3  }
0x107: {  	(v2sf) =	vpush v1, $0x7;
	_ =	sdelay $0x2  }
0x108: {  	s8 =	spop (v2sf);
	[tilespmem:s28+$0xFFFFFFB0] =	vst v2  }
0x109: {  	s0 =	sor.u32 $0x10, s8;
	v2 =	vld.idx.msk [tilespmem:v4+s14+$0x0], $0xffff  }
0x10a: {  	v3 =	vadd.s32 s0, v3;
	_ =	sdelay $0x3  }
0x10b: {  	s9 =	simm.s32 $0x380;
	v57 =	vbroadcast v1, $0x7;
	[tilespmem:s28+$0xFFFFFFC0] =	vst v2  }
0x10c: {  	v2 =	vld.idx.msk [tilespmem:v3+s14+$0x0], $0xffff;
	v3 =	vor.u32 s9, v0  }
0x10d: {  	v4 =	vadd.s32 v57, v3  }
0x10e: {  	(v2sf) =	vpush v1, $0x8;
	_ =	sdelay $0x2  }
0x10f: {  	s10 =	spop (v2sf);
	[tilespmem:s28+$0xFFFFFFD0] =	vst v2  }
0x110: {  	s0 =	sor.u32 $0x10, s10;
	v2 =	vld.idx.msk [tilespmem:v4+s14+$0x0], $0xffff  }
0x111: {  	v3 =	vadd.s32 s0, v3;
	_ =	sdelay $0x3  }
0x112: {  	s11 =	simm.s32 $0x400;
	v58 =	vbroadcast v1, $0x8;
	[tilespmem:s28+$0xFFFFFFE0] =	vst v2  }
0x113: {  	v2 =	vld.idx.msk [tilespmem:v3+s14+$0x0], $0xffff;
	v3 =	vor.u32 s11, v0  }
0x114: {  	v4 =	vadd.s32 v58, v3  }
0x115: {  	(v2sf) =	vpush v1, $0x9;
	_ =	sdelay $0x2  }
0x116: {  	s12 =	spop (v2sf);
	[tilespmem:s28+$0xFFFFFFF0] =	vst v2  }
0x117: {  	s0 =	sor.u32 $0x10, s12;
	v2 =	vld.idx.msk [tilespmem:v4+s14+$0x0], $0xffff  }
0x118: {  	v3 =	vadd.s32 s0, v3;
	_ =	sdelay $0x3  }
0x119: {  	s13 =	simm.s32 $0x480;
	v59 =	vbroadcast v1, $0x9;
	[tilespmem:s28+$0x0] =	vst v2  }
0x11a: {  	v2 =	vld.idx.msk [tilespmem:v3+s14+$0x0], $0xffff;
	v3 =	vor.u32 s13, v0  }
0x11b: {  	v4 =	vadd.s32 v59, v3  }
0x11c: {  	(v2sf) =	vpush v1, $0xA;
	_ =	sdelay $0x2  }
0x11d: {  	s15 =	spop (v2sf);
	[tilespmem:s28+$0x10] =	vst v2  }
0x11e: {  	s0 =	sor.u32 $0x10, s15;
	v2 =	vld.idx.msk [tilespmem:v4+s14+$0x0], $0xffff  }
0x11f: {  	v3 =	vadd.s32 s0, v3;
	_ =	sdelay $0x3  }
0x120: {  	s16 =	simm.s32 $0x500;
	v60 =	vbroadcast v1, $0xA;
	[tilespmem:s28+$0x20] =	vst v2  }
0x121: {  	v2 =	vld.idx.msk [tilespmem:v3+s14+$0x0], $0xffff;
	v3 =	vor.u32 s16, v0  }
0x122: {  	v4 =	vadd.s32 v60, v3  }
0x123: {  	(v2sf) =	vpush v1, $0xB;
	_ =	sdelay $0x2  }
0x124: {  	s17 =	spop (v2sf);
	[tilespmem:s28+$0x30] =	vst v2  }
0x125: {  	s0 =	sor.u32 $0x10, s17;
	v2 =	vld.idx.msk [tilespmem:v4+s14+$0x0], $0xffff  }
0x126: {  	v3 =	vadd.s32 s0, v3;
	_ =	sdelay $0x3  }
0x127: {  	s18 =	simm.s32 $0x580;
	v61 =	vbroadcast v1, $0xB;
	[tilespmem:s28+$0x40] =	vst v2  }
0x128: {  	v2 =	vld.idx.msk [tilespmem:v3+s14+$0x0], $0xffff;
	v3 =	vor.u32 s18, v0  }
0x129: {  	v4 =	vadd.s32 v61, v3  }
0x12a: {  	(v2sf) =	vpush v1, $0xC;
	_ =	sdelay $0x2  }
0x12b: {  	s19 =	spop (v2sf);
	[tilespmem:s28+$0x50] =	vst v2  }
0x12c: {  	s0 =	sor.u32 $0x10, s19;
	v2 =	vld.idx.msk [tilespmem:v4+s14+$0x0], $0xffff  }
0x12d: {  	v3 =	vadd.s32 s0, v3;
	_ =	sdelay $0x3  }
0x12e: {  	s20 =	simm.s32 $0x600;
	v62 =	vbroadcast v1, $0xC;
	[tilespmem:s28+$0x60] =	vst v2  }
0x12f: {  	v2 =	vld.idx.msk [tilespmem:v3+s14+$0x0], $0xffff;
	v3 =	vor.u32 s20, v0  }
0x130: {  	v4 =	vadd.s32 v62, v3  }
0x131: {  	(v2sf) =	vpush v1, $0xD;
	_ =	sdelay $0x2  }
0x132: {  	s21 =	spop (v2sf);
	[tilespmem:s28+$0x70] =	vst v2  }
0x133: {  	s0 =	sor.u32 $0x10, s21;
	v2 =	vld.idx.msk [tilespmem:v4+s14+$0x0], $0xffff  }
0x134: {  	v3 =	vadd.s32 s0, v3;
	_ =	sdelay $0x3  }
0x135: {  	s22 =	simm.s32 $0x680;
	v63 =	vbroadcast v1, $0xD;
	[tilespmem:s28+$0x80] =	vst v2  }
0x136: {  	v2 =	vld.idx.msk [tilespmem:v3+s14+$0x0], $0xffff;
	v3 =	vor.u32 s22, v0  }
0x137: {  	v4 =	vadd.s32 v63, v3  }
0x138: {  	(v2sf) =	vpush v1, $0xE;
	_ =	sdelay $0x2  }
0x139: {  	s23 =	spop (v2sf);
	[tilespmem:s28+$0x90] =	vst v2  }
0x13a: {  	s0 =	sor.u32 $0x10, s23;
	v2 =	vld.idx.msk [tilespmem:v4+s14+$0x0], $0xffff  }
0x13b: {  	v3 =	vadd.s32 s0, v3;
	_ =	sdelay $0x1  }
0x13c: {  	(v2sf) =	vpush v1, $0xF;
	_ =	sdelay $0x1  }
0x13d: {  	s24 =	simm.s32 $0x700;
	v1 =	vbroadcast v1, $0xE;
	[tilespmem:s28+$0xA0] =	vst v2  }
0x13e: {  	v2 =	vld.idx.msk [tilespmem:v3+s14+$0x0], $0xffff;
	v3 =	vor.u32 s24, v0  }
0x13f: {  	v1 =	vadd.s32 v1, v3;
	_ =	sdelay $0x3  }
0x140: {  	s25 =	spop (v2sf);
	[tilespmem:s28+$0xB0] =	vst v2  }
0x141: {  	s0 =	sor.u32 $0x10, s25;
	v1 =	vld.idx.msk [tilespmem:v1+s14+$0x0], $0xffff  }
0x142: {  	v2 =	vadd.s32 s0, v3;
	_ =	sdelay $0x3  }
0x143: {  	s30 =	simm.s32 $0x780;
	[tilespmem:s28+$0xC0] =	vst v1  }
0x144: {  	s31 =	spop (v2sf);
	v1 =	vor.u32 s30, v0;
	v2 =	vld.idx.msk [tilespmem:v2+s14+$0x0], $0xffff  }
0x145: {  	v3 =	vadd.s32 s31, v1;
	_ =	sdelay $0x3  }
0x146: {  	[tilespmem:s28+$0xD0] =	vst v2  }
0x147: {  	s0 =	sor.u32 $0x10, s31;
	v2 =	vld.idx.msk [tilespmem:v3+s14+$0x0], $0xffff  }
0x148: {  	v1 =	vadd.s32 s0, v1;
	_ =	sdelay $0x3  }
0x149: {  	[tilespmem:s28+$0xE0] =	vst v2  }
0x14a: {  	s29 =	simm.s32 $0x1F;
	v1 =	vld.idx.msk [tilespmem:v1+s14+$0x0], $0xffff  }
.LBB2_8:
0x14b: {  	_ =	sdelay $0x3  }
0x14c: {  	s26 =	sadd.s32 $0x10, s26;
	[tilespmem:s28+$0xF0] =	vst v1  }
0x14d: {  	v1 =	vld [tilespmem:s26+$0x0];
	_ =	sdelay $0x4  }
0x14e: {  	v13 =	vshll.u32 v1, $0x5  }
0x14f: {  	(v2sf) =	vpush v13, $0x0;
	_ =	sdelay $0x6  }
0x150: {  	s0 =	smov.u32 s29  }
0x151: {  	s30 =	sshll.u32 s0, $0x7;
	(v2sf) =	vpush v13, $0x1  }
0x152: {  	s0 =	sadd.s32 $0xFFFFF880, s30;
	v1 =	vbroadcast v13, $0x0;
	(v2sf) =	vpush v13, $0x2  }
0x153: {  	v15 =	vor.u32 s0, v0;
	(v2sf) =	vpush v13, $0x3  }
0x154: {  	v17 =	vadd.s32 v1, v15;
	(v2sf) =	vpush v13, $0x4  }
0x155: {  	(v2sf) =	vpush v13, $0x5  }
0x156: {  	(v2sf) =	vpush v13, $0x6  }
0x157: {  	s3 =	sadd.s32 $0xFFFFF900, s30;
	(v2sf) =	vpush v13, $0x7  }
0x158: {  	v39 =	vor.u32 s3, v0;
	v14 =	vbroadcast v13, $0x1;
	(v2sf) =	vpush v13, $0x8;
	s22 =	spop (v2sf)  }
0x159: {  	v16 =	vbroadcast v13, $0x2;
	v12 =	vbroadcast v13, $0x3;
	v17 =	vld.idx.msk [tilespmem:v17+s14+$0x0], $0xffff;
	(v2sf) =	vpush v13, $0x9;
	s0 =	sor.u32 $0x10, s22  }
0x15a: {  	v11 =	vbroadcast v13, $0x4;
	(v2sf) =	vpush v13, $0xA;
	v38 =	vadd.s32 s0, v15  }
0x15b: {  	v10 =	vbroadcast v13, $0x5;
	v9 =	vbroadcast v13, $0x6;
	(v2sf) =	vpush v13, $0xB  }
0x15c: {  	v8 =	vbroadcast v13, $0x7;
	v7 =	vbroadcast v13, $0x8;
	(v2sf) =	vpush v13, $0xC  }
0x15d: {  	s28 =	sadd.s32 $0x200, s28;
	v6 =	vbroadcast v13, $0x9;
	v5 =	vbroadcast v13, $0xA;
	(v2sf) =	vpush v13, $0xD  }
0x15e: {  	v4 =	vbroadcast v13, $0xB;
	v3 =	vbroadcast v13, $0xC;
	[tilespmem:s28+$0xFFFFFF00] =	vst v17;
	(v2sf) =	vpush v13, $0xE  }
0x15f: {  	v2 =	vbroadcast v13, $0xD;
	v1 =	vbroadcast v13, $0xE;
	(v2sf) =	vpush v13, $0xF;
	v13 =	vld.idx.msk [tilespmem:v38+s14+$0x0], $0xffff  }
0x160: {  	v14 =	vadd.s32 v14, v39;
	_ =	sdelay $0x3  }
0x161: {  	s5 =	spop (v2sf);
	[tilespmem:s28+$0xFFFFFF10] =	vst v13  }
0x162: {  	s11 =	sor.u32 $0x10, s5;
	v13 =	vld.idx.msk [tilespmem:v14+s14+$0x0], $0xffff  }
0x163: {  	v40 =	vadd.s32 s11, v39;
	_ =	sdelay $0x3  }
0x164: {  	s10 =	sadd.s32 $0xFFFFF980, s30;
	[tilespmem:s28+$0xFFFFFF20] =	vst v13  }
0x165: {  	v41 =	vor.u32 s10, v0;
	v13 =	vld.idx.msk [tilespmem:v40+s14+$0x0], $0xffff  }
0x166: {  	v42 =	vadd.s32 v16, v41;
	_ =	sdelay $0x3  }
0x167: {  	s24 =	spop (v2sf);
	[tilespmem:s28+$0xFFFFFF30] =	vst v13  }
0x168: {  	s0 =	sor.u32 $0x10, s24;
	v13 =	vld.idx.msk [tilespmem:v42+s14+$0x0], $0xffff  }
0x169: {  	v14 =	vadd.s32 s0, v41;
	_ =	sdelay $0x3  }
0x16a: {  	s4 =	sadd.s32 $0xFFFFFA00, s30;
	[tilespmem:s28+$0xFFFFFF40] =	vst v13  }
0x16b: {  	v43 =	vor.u32 s4, v0;
	v13 =	vld.idx.msk [tilespmem:v14+s14+$0x0], $0xffff  }
0x16c: {  	v12 =	vadd.s32 v12, v43;
	_ =	sdelay $0x3  }
0x16d: {  	s25 =	spop (v2sf);
	[tilespmem:s28+$0xFFFFFF50] =	vst v13  }
0x16e: {  	s25 =	sor.u32 $0x10, s25;
	v12 =	vld.idx.msk [tilespmem:v12+s14+$0x0], $0xffff  }
0x16f: {  	v44 =	vadd.s32 s25, v43;
	_ =	sdelay $0x3  }
0x170: {  	s1 =	sadd.s32 $0xFFFFFA80, s30;
	[tilespmem:s28+$0xFFFFFF60] =	vst v12  }
0x171: {  	v45 =	vor.u32 s1, v0;
	v12 =	vld.idx.msk [tilespmem:v44+s14+$0x0], $0xffff  }
0x172: {  	v11 =	vadd.s32 v11, v45;
	_ =	sdelay $0x3  }
0x173: {  	s7 =	spop (v2sf);
	[tilespmem:s28+$0xFFFFFF70] =	vst v12  }
0x174: {  	s22 =	sor.u32 $0x10, s7;
	v11 =	vld.idx.msk [tilespmem:v11+s14+$0x0], $0xffff  }
0x175: {  	v46 =	vadd.s32 s22, v45;
	_ =	sdelay $0x3  }
0x176: {  	s8 =	sadd.s32 $0xFFFFFB00, s30;
	[tilespmem:s28+$0xFFFFFF80] =	vst v11  }
0x177: {  	v47 =	vor.u32 s8, v0;
	v11 =	vld.idx.msk [tilespmem:v46+s14+$0x0], $0xffff  }
0x178: {  	v10 =	vadd.s32 v10, v47;
	_ =	sdelay $0x3  }
0x179: {  	s21 =	sadd.s32 $0xFFFFFF80, s30;
	s9 =	spop (v2sf);
	[tilespmem:s28+$0xFFFFFF90] =	vst v11  }
0x17a: {  	[dreg:$0x4] =	wrdreg s21;
	s21 =	sor.u32 $0x10, s9;
	v10 =	vld.idx.msk [tilespmem:v10+s14+$0x0], $0xffff  }
0x17b: {  	v48 =	vadd.s32 s21, v47;
	_ =	sdelay $0x3  }
0x17c: {  	s6 =	sadd.s32 $0xFFFFFB80, s30;
	[tilespmem:s28+$0xFFFFFFA0] =	vst v10  }
0x17d: {  	v49 =	vor.u32 s6, v0;
	v10 =	vld.idx.msk [tilespmem:v48+s14+$0x0], $0xffff  }
0x17e: {  	v9 =	vadd.s32 v9, v49;
	_ =	sdelay $0x3  }
0x17f: {  	s12 =	spop (v2sf);
	[tilespmem:s28+$0xFFFFFFB0] =	vst v10  }
0x180: {  	s12 =	sor.u32 $0x10, s12;
	v9 =	vld.idx.msk [tilespmem:v9+s14+$0x0], $0xffff  }
0x181: {  	v50 =	vadd.s32 s12, v49;
	_ =	sdelay $0x3  }
0x182: {  	s20 =	sadd.s32 $0xFFFFFC00, s30;
	[tilespmem:s28+$0xFFFFFFC0] =	vst v9  }
0x183: {  	v51 =	vor.u32 s20, v0;
	v9 =	vld.idx.msk [tilespmem:v50+s14+$0x0], $0xffff  }
0x184: {  	v8 =	vadd.s32 v8, v51;
	_ =	sdelay $0x3  }
0x185: {  	s13 =	spop (v2sf);
	[tilespmem:s28+$0xFFFFFFD0] =	vst v9  }
0x186: {  	s3 =	sor.u32 $0x10, s13;
	v8 =	vld.idx.msk [tilespmem:v8+s14+$0x0], $0xffff  }
0x187: {  	v52 =	vadd.s32 s3, v51;
	_ =	sdelay $0x3  }
0x188: {  	s18 =	sadd.s32 $0xFFFFFC80, s30;
	[tilespmem:s28+$0xFFFFFFE0] =	vst v8  }
0x189: {  	v53 =	vor.u32 s18, v0;
	v8 =	vld.idx.msk [tilespmem:v52+s14+$0x0], $0xffff  }
0x18a: {  	v7 =	vadd.s32 v7, v53;
	_ =	sdelay $0x3  }
0x18b: {  	s16 =	spop (v2sf);
	[tilespmem:s28+$0xFFFFFFF0] =	vst v8  }
0x18c: {  	s9 =	sor.u32 $0x10, s16;
	v7 =	vld.idx.msk [tilespmem:v7+s14+$0x0], $0xffff  }
0x18d: {  	v54 =	vadd.s32 s9, v53;
	_ =	sdelay $0x3  }
0x18e: {  	s25 =	sadd.s32 $0xFFFFFD00, s30;
	[tilespmem:s28+$0x0] =	vst v7  }
0x18f: {  	v55 =	vor.u32 s25, v0;
	v7 =	vld.idx.msk [tilespmem:v54+s14+$0x0], $0xffff  }
0x190: {  	v6 =	vadd.s32 v6, v55;
	_ =	sdelay $0x3  }
0x191: {  	s17 =	spop (v2sf);
	[tilespmem:s28+$0x10] =	vst v7  }
0x192: {  	s7 =	sor.u32 $0x10, s17;
	v6 =	vld.idx.msk [tilespmem:v6+s14+$0x0], $0xffff  }
0x193: {  	v56 =	vadd.s32 s7, v55;
	_ =	sdelay $0x3  }
0x194: {  	s15 =	sadd.s32 $0xFFFFFD80, s30;
	[tilespmem:s28+$0x20] =	vst v6  }
0x195: {  	v57 =	vor.u32 s15, v0;
	v6 =	vld.idx.msk [tilespmem:v56+s14+$0x0], $0xffff  }
0x196: {  	v5 =	vadd.s32 v5, v57;
	_ =	sdelay $0x3  }
0x197: {  	s19 =	spop (v2sf);
	[tilespmem:s28+$0x30] =	vst v6  }
0x198: {  	s5 =	sor.u32 $0x10, s19;
	v5 =	vld.idx.msk [tilespmem:v5+s14+$0x0], $0xffff  }
0x199: {  	v58 =	vadd.s32 s5, v57;
	_ =	sdelay $0x3  }
0x19a: {  	s23 =	sadd.s32 $0xFFFFFE00, s30;
	[tilespmem:s28+$0x40] =	vst v5  }
0x19b: {  	v59 =	vor.u32 s23, v0;
	v5 =	vld.idx.msk [tilespmem:v58+s14+$0x0], $0xffff  }
0x19c: {  	v4 =	vadd.s32 v4, v59;
	_ =	sdelay $0x3  }
0x19d: {  	s13 =	spop (v2sf);
	[tilespmem:s28+$0x50] =	vst v5  }
0x19e: {  	s19 =	sor.u32 $0x10, s13;
	v4 =	vld.idx.msk [tilespmem:v4+s14+$0x0], $0xffff  }
0x19f: {  	v60 =	vadd.s32 s19, v59;
	_ =	sdelay $0x3  }
0x1a0: {  	s2 =	sadd.s32 $0xFFFFFE80, s30;
	[tilespmem:s28+$0x60] =	vst v4  }
0x1a1: {  	v61 =	vor.u32 s2, v0;
	v4 =	vld.idx.msk [tilespmem:v60+s14+$0x0], $0xffff  }
0x1a2: {  	v3 =	vadd.s32 v3, v61;
	_ =	sdelay $0x3  }
0x1a3: {  	s24 =	spop (v2sf);
	[tilespmem:s28+$0x70] =	vst v4  }
0x1a4: {  	s17 =	sor.u32 $0x10, s24;
	v3 =	vld.idx.msk [tilespmem:v3+s14+$0x0], $0xffff  }
0x1a5: {  	v62 =	vadd.s32 s17, v61;
	_ =	sdelay $0x3  }
0x1a6: {  	s31 =	sadd.s32 $0xFFFFFF00, s30;
	[tilespmem:s28+$0x80] =	vst v3  }
0x1a7: {  	v63 =	vor.u32 s31, v0;
	v3 =	vld.idx.msk [tilespmem:v62+s14+$0x0], $0xffff  }
0x1a8: {  	v2 =	vadd.s32 v2, v63;
	_ =	sdelay $0x3  }
0x1a9: {  	s16 =	spop (v2sf);
	[tilespmem:s28+$0x90] =	vst v3  }
0x1aa: {  	s16 =	sor.u32 $0x10, s16;
	v2 =	vld.idx.msk [tilespmem:v2+s14+$0x0], $0xffff  }
0x1ab: {  	v3 =	vadd.s32 s16, v63;
	_ =	sdelay $0x3  }
0x1ac: {  	s31 =	rddreg [dreg:$0x4];
	[tilespmem:s28+$0xA0] =	vst v2  }
0x1ad: {  	v2 =	vld.idx.msk [tilespmem:v3+s14+$0x0], $0xffff;
	v3 =	vor.u32 s31, v0  }
0x1ae: {  	v1 =	vadd.s32 v1, v3;
	_ =	sdelay $0x3  }
0x1af: {  	s24 =	spop (v2sf);
	[tilespmem:s28+$0xB0] =	vst v2  }
0x1b0: {  	s13 =	sor.u32 $0x10, s24;
	v1 =	vld.idx.msk [tilespmem:v1+s14+$0x0], $0xffff  }
0x1b1: {  	v2 =	vadd.s32 s13, v3;
	_ =	sdelay $0x3  }
0x1b2: {  	[tilespmem:s28+$0xC0] =	vst v1  }
0x1b3: {  	s24 =	spop (v2sf);
	v1 =	vld.idx.msk [tilespmem:v2+s14+$0x0], $0xffff;
	v2 =	vor.u32 s30, v0  }
0x1b4: {  	v3 =	vadd.s32 s24, v2;
	_ =	sdelay $0x3  }
0x1b5: {  	[tilespmem:s28+$0xD0] =	vst v1  }
0x1b6: {  	s11 =	sor.u32 $0x10, s24;
	v1 =	vld.idx.msk [tilespmem:v3+s14+$0x0], $0xffff  }
0x1b7: {  	p0 =	sne.s32 s29, $0x1FF;
	v2 =	vadd.s32 s11, v2  }
.Ltmp3:
0x1b8: {  	_ = 	snop;
	(pc) =	sbr.rel @p0 .LBB2_8-.Ltmp3, $3  }
0x1b9: {  	_ =	sdelay $0x1  }
0x1ba: {  	[tilespmem:s28+$0xE0] =	vst v1  }
0x1bb: {  	s29 =	sadd.s32 $0x10, s29;
	v1 =	vld.idx.msk [tilespmem:v2+s14+$0x0], $0xffff  }
0x1bc: {  	_ =	sdelay $0x3  }
0x1bd: {  	s7 =	simm.s32 $0x0;
	s0 =	rddreg [dreg:$0x9];
	s1 =	simm.s32 $0x10800;
	[tilespmem:s28+$0xF0] =	vst v1  }
0x1be: {  	[hbm4b:s0+s7] =	stream.linear.scatter [tilespmem:s1], [sflag:$0x3], $0x4000, $0x38;
	[tilespmem:$0x18800] =	vst v63  }
0x1bf: {  	s1 =	simm.s32 $0x3  }
0x1c0: {  	_ =	swait.ge [sflag:s1], $0x4000  }
0x1c1: {  	[sflag:s1] =	ssyncset.done $0x0  }
0x1c2: {  	s2 =	simm.s32 $0x14800;
	s29 =	rddreg [dreg:$0xa];
	[sflag:s1] =	ssyncadd.s32 $0xFFFFC000  }
0x1c3: {  	[hbm4b:s29+s7] =	stream.linear.scatter [tilespmem:s2], [sflag:$0x3], $0x4000, $0x38;
	[tilespmem:$0x18800] =	vst v63  }
0x1c4: {  	_ =	swait.ge [sflag:s1], $0x4000  }
0x1c5: {  	s30 =	rddreg [dreg:$0xc]  }
0x1c6: {  	s31 =	rddreg [dreg:$0xb];
	s2 =	sadd.s32 $0x1, s30  }
0x1c7: {  	p0 =	sne.s32 s2, s31  }
.Ltmp4:
0x1c8: {  	_ = 	snop;
	(pc) =	sbr.rel @p0 .LBB2_1-.Ltmp4, $4  }
0x1c9: {  	s3 =	simm.s32 $0x80  }
0x1ca: {  	s4 =	simm.s32 $0x400;
	s8 =	simm.s32 $0x480;
	s9 =	simm.s32 $0x4800  }
0x1cb: {  	s10 =	simm.s32 $0x500;
	s11 =	simm.s32 $0x8800;
	[sflag:s1] =	ssyncset.done $0x0  }
0x1cc: {  	s12 =	simm.s32 $0x580;
	s13 =	simm.s32 $0xC800;
	[sflag:s1] =	ssyncadd.s32 $0xFFFFC000  }
0x1cd: {  	_ =	sfence.sel $0x180000  }
0x1ce: {  	[bflag:$0x0] =	sbarrier.arrive $0xFFFF  }
0x1cf: {  	_ =	strace $0x90000047  }
0x1d0: {  	s0 =	stileid.u32;
	[bflag:$0x2] =	sbarrier.arrive $0xFFFF  }
0x1d1: {  	p0 =	sne.s32 s0, $0x0;
	s0 =	rddreg [dreg:$0x3]  }
0x1d2: {  	s0 =	sadd.s32 @!p0 $0x100000, s0  }
0x1d3: {  	[sflag:s0] =	ssyncadd.tile.s32 @!p0 $0x1;
	_ =	shalt  }
.Lfunc_end2:
_tile_overlayer_lowered:
.L_overlay_start_2:
0x1d4: {  	(tag) =	ssettag $0x2  }
0x1d5: {  	s0 =	rddreg [dreg:$0x0];
	s2 =	stileid.u32  }
0x1d6: {  	s1 =	rddreg [dreg:$0x1];
	p0 =	sne.s32 s2, $0x0  }
0x1d7: {  	s3 =	rddreg [dreg:$0x2];
	[bflag:$0x3] =	sbarrier.arrive $0xFFFF;
	s2 =	simm.s32 @!p0 $0x1C03  }
0x1d8: {  	[timem:s3], [sflag:s2] =	dma.local @!p0 [hbm:s0], s1  }
0x1d9: {  	s0 =	simm.s32 @!p0 $0x3  }
0x1da: {  	_ =	swait.ge @!p0 [sflag:s0], s1  }
0x1db: {  	s1 =	ssub.s32 @!p0 $0x0, s1;
	[sflag:s0] =	ssyncset.done @!p0 $0x0  }
0x1dc: {  	[sflag:s0] =	ssyncadd.s32 @!p0 s1  }
0x1dd: {  	[bflag:$0x3] =	sbarrier.arrive $0xFFFF  }
0x1de: {  	_ =	shalt  }

</sc_bundles>
